<compile_context>
chip_gen: v7x
topology: tpu7x:2x2x1
jax: 0.10.2.dev20260603
libtpu: 0.0.44.dev20260713+nightly
codegen_flags: <defaults>
</compile_context>

<pallas_src>
import functools

import jax
import jax.numpy as jnp
from jax import lax
from jax.experimental import pallas as pl
from jax.experimental.pallas import tpu as pltpu
from jax.experimental.pallas import tpu_sc as plsc

B = 64
H = 512
W = 512
NC = 2
NS = 16
NW = NC * NS
SC_BASE = 32
ROWS = 32
CHUNKS_PER_SAMPLE = H // ROWS
CC = W // 16
LANES = 16
TB = 4
NEG = -1e30


@functools.partial(
    pl.kernel,
    out_type=jax.ShapeDtypeStruct((NW, LANES), jnp.float32),
    mesh=plsc.VectorSubcoreMesh(core_axis_name="c", subcore_axis_name="s"),
    scratch_types=[
        pltpu.VMEM((ROWS, W), jnp.float32),
        pltpu.VMEM((ROWS, W), jnp.float32),
        pltpu.VMEM((ROWS, W), jnp.int32),
        pltpu.VMEM((ROWS, W), jnp.int32),
        pltpu.VMEM((LANES,), jnp.int32),
        pltpu.VMEM((LANES,), jnp.float32),
        pltpu.SemaphoreType.DMA,
        pltpu.SemaphoreType.DMA,
        pltpu.SemaphoreType.DMA,
        pltpu.SemaphoreType.DMA,
    ],
)
def _sc_bag_reduce(x_hbm, z_hbm, catsb_hbm, out_hbm,
                   xb0, xb1, zb0, zb1, cat_v, res_v,
                   sx0, sx1, sz0, sz1):
    cid = lax.axis_index("c")
    sid = lax.axis_index("s")
    wid = sid * NC + cid
    smp = SC_BASE + wid

    xbufs = (xb0, xb1)
    zbufs = (zb0, zb1)
    sxs = (sx0, sx1)
    szs = (sz0, sz1)

    def start(k, par):
        pltpu.async_copy(x_hbm.at[smp, pl.ds(k * ROWS, ROWS), :],
                         xbufs[par], sxs[par])
        pltpu.async_copy(z_hbm.at[smp, pl.ds(k * ROWS, ROWS), :],
                         zbufs[par], szs[par])

    def wait(k, par):
        pltpu.make_async_copy(x_hbm.at[smp, pl.ds(k * ROWS, ROWS), :],
                              xbufs[par], sxs[par]).wait()
        pltpu.make_async_copy(z_hbm.at[smp, pl.ds(k * ROWS, ROWS), :],
                              zbufs[par], szs[par]).wait()

    pltpu.sync_copy(catsb_hbm.at[smp], cat_v)
    cat_vec = cat_v[...]

    start(0, 0)
    start(1, 1)

    def chunk_pair(g, vm):
        for par in range(2):
            k = 2 * g + par
            wait(k, par)
            xb = xbufs[par]
            zb = zbufs[par]

            def row_body(i, vmr, xb=xb, zb=zb):
                r = i >> 1
                col0 = (i & 1) * (W // 2)
                for c in range(CC // 2):
                    z = zb[r, pl.ds(col0 + c * LANES, LANES)]
                    x = xb[r, pl.ds(col0 + c * LANES, LANES)]
                    vmr = jnp.maximum(vmr, jnp.where(z == cat_vec, x, NEG))
                return vmr

            vm = lax.fori_loop(0, 2 * ROWS, row_body, vm)

            @pl.when(k + 2 < CHUNKS_PER_SAMPLE)
            def _(k=k, par=par):
                start(k + 2, par)
        return vm

    vmax = lax.fori_loop(0, CHUNKS_PER_SAMPLE // 2, chunk_pair,
                         jnp.full((LANES,), NEG, dtype=jnp.float32))
    res_v[...] = vmax
    pltpu.sync_copy(res_v, out_hbm.at[wid])


def _tc_bag_body(cat_ref, x_ref, z_ref, out_ref):
    for j in range(TB):
        cat = cat_ref[j, 0, 0]
        out_ref[j, 0, 0] = jnp.max(jnp.where(z_ref[j] == cat, x_ref[j], NEG))


def _loss_body(bagtc_ref, scv_ref, lab_ref, out_ref):
    bag_tc = bagtc_ref[...][:, 0, 0]
    bag_sc = jnp.max(scv_ref[...], axis=1)
    bag = jnp.concatenate([bag_tc, bag_sc])
    x = jnp.where(bag > -1e29, bag, 0.0)
    y = lab_ref[...]
    per = jnp.maximum(x, 0.0) - x * y + jnp.log1p(jnp.exp(-jnp.abs(x)))
    out_ref[0, 0] = jnp.sum(per) / B


def kernel(pixel_logits, zone_patches, cats, labels):
    x = pixel_logits.reshape(B, H, W)
    z = zone_patches
    cats_eff = jnp.where(cats > 0, cats, -1)
    cats_b = jnp.broadcast_to(cats_eff[:, None], (B, LANES))

    sc_res = _sc_bag_reduce(x, z, cats_b)

    bag_tc = pl.pallas_call(
        _tc_bag_body,
        grid=(SC_BASE // TB,),
        in_specs=[
            pl.BlockSpec((TB, 1, 1), lambda b: (b, 0, 0),
                         memory_space=pltpu.SMEM),
            pl.BlockSpec((TB, H, W), lambda b: (b, 0, 0)),
            pl.BlockSpec((TB, H, W), lambda b: (b, 0, 0)),
        ],
        out_specs=pl.BlockSpec((TB, 1, 1), lambda b: (b, 0, 0),
                               memory_space=pltpu.SMEM),
        out_shape=jax.ShapeDtypeStruct((SC_BASE, 1, 1), jnp.float32),
    )(cats_eff[:, None, None], x, z)

    loss = pl.pallas_call(
        _loss_body,
        out_shape=jax.ShapeDtypeStruct((1, 1), jnp.float32),
        out_specs=pl.BlockSpec(memory_space=pltpu.SMEM),
    )(bag_tc, sc_res, labels)
    return loss[0, 0]

# --- scband reference (transcript-rebuilt; emitter-appended) ---
"""Pipeline reference for scband-milloss-15985868275848 (READ-ONLY COPY).

The authoritative reference and input builder live on the scoring server;
editing this copy changes nothing except your own understanding.
"""

import jax, jax.numpy as jnp
import numpy as np


def setup_inputs(seed: int = 0) -> dict:
    key = jax.random.key(seed)
    k1, k2, k3, k4 = jax.random.split(key, 4)
    B, H, W = 64, 512, 512
    n_zones = 50
    pixel_logits = jax.random.normal(k1, (B, 1, H, W), dtype=jnp.float32)
    zone_patches = jax.random.randint(k2, (B, H, W), 0, n_zones, dtype=jnp.int32)
    cats = jax.random.randint(k3, (B,), 0, n_zones, dtype=jnp.int32)
    labels = jax.random.uniform(k4, (B,), dtype=jnp.float32)
    return {
        "pixel_logits": pixel_logits,
        "zone_patches": zone_patches,
        "cats": cats,
        "labels": labels,
    }


def reference(pixel_logits, zone_patches, cats, labels):
    # pixel_logits: (B, 1, H, W); zone_patches: (B, H, W); cats: (B,); labels: (B,)
    logits = pixel_logits[:, 0]  # (B, H, W)
    valid_mask = zone_patches > 0
    slope_mask = (zone_patches == cats[:, None, None]) & valid_mask  # (B, H, W)
    count = jnp.sum(slope_mask, axis=(1, 2))  # (B,)
    neg = jnp.asarray(-1e30, dtype=logits.dtype)
    masked_logits = jnp.where(slope_mask, logits, neg)
    bag_max = jnp.max(masked_logits, axis=(1, 2))  # 'max' aggregation
    representative_scores = jnp.where(count > 0, bag_max, jnp.asarray(0.0, dtype=logits.dtype))
    # BCEWithLogitsLoss (mean reduction, no pos_weight), numerically stable form:
    x = representative_scores
    y = labels
    per_sample = jnp.maximum(x, 0.0) - x * y + jnp.log1p(jnp.exp(-jnp.abs(x)))
    loss = jnp.mean(per_sample)
    return loss

if __name__ == "__main__":
    import jax
    _d = setup_inputs()
    print(jax.jit(kernel)(*tuple(_d.values())))

</pallas_src>

<mosaic_0001>
#map = affine_map<(d0, d1) -> (0, 0, 0)>
#map1 = affine_map<(d0, d1) -> (0, 0)>
module attributes {stable_mosaic.version = 14 : i64} {
  func.func @_sc_bag_reduce(%arg0: i32, %arg1: i32, %arg2: memref<64x512x512xf32, #tpu.memory_space<hbm>>, %arg3: memref<64x512x512xi32, #tpu.memory_space<hbm>>, %arg4: memref<64x16xi32, #tpu.memory_space<hbm>>, %arg5: memref<32x16xf32, #tpu.memory_space<hbm>>, %arg6: memref<32x512xf32, #tpu.memory_space<vmem>>, %arg7: memref<32x512xf32, #tpu.memory_space<vmem>>, %arg8: memref<32x512xi32, #tpu.memory_space<vmem>>, %arg9: memref<32x512xi32, #tpu.memory_space<vmem>>, %arg10: memref<16xi32, #tpu.memory_space<vmem>>, %arg11: memref<16xf32, #tpu.memory_space<vmem>>, %arg12: memref<!tpu.dma_semaphore, #tpu.memory_space<semaphore_mem>>, %arg13: memref<!tpu.dma_semaphore, #tpu.memory_space<semaphore_mem>>, %arg14: memref<!tpu.dma_semaphore, #tpu.memory_space<semaphore_mem>>, %arg15: memref<!tpu.dma_semaphore, #tpu.memory_space<semaphore_mem>>) attributes {dimension_semantics = [#tpu.dimension_semantics<core_parallel>, #tpu.dimension_semantics<subcore_parallel>], iteration_bounds = array<i64: 2, 16>, scalar_prefetch = 0 : i64, scratch_operands = 10 : i64, tpu.core_type = #tpu.core_type<sc_vector_subcore>, window_params = [{transform_indices = #map}, {transform_indices = #map}, {transform_indices = #map1}, {transform_indices = #map1}]} {
    %mul3A = arith.constant 2 : i32
    %mul3A_0 = arith.muli %arg1, %mul3A : i32
    %add3A = arith.addi %mul3A_0, %arg0 : i32
    %add3A_1 = arith.constant 32 : i32
    %add3A_2 = arith.addi %add3A_1, %add3A : i32
    "tpu.region"() ({
      %run_scoped3A = tpu.sem_alloc : memref<!tpu.dma_semaphore, #tpu.memory_space<semaphore_mem>>
      %dma_start3A_45 = arith.constant 0 : i32
      %dma_start3A_46 = tpu.memref_slice %arg4[%add3A_2, %dma_start3A_45] : memref<64x16xi32, #tpu.memory_space<hbm>> -> memref<1x16xi32, #tpu.memory_space<hbm>>
      %dma_start3A_47 = tpu.memref_squeeze %dma_start3A_46 : memref<1x16xi32, #tpu.memory_space<hbm>> -> memref<16xi32, #tpu.memory_space<hbm>>
      %dma_start3A_48 = arith.constant 0 : i32
      %dma_start3A_49 = tpu.memref_slice %arg4[%add3A_2, %dma_start3A_48] : memref<64x16xi32, #tpu.memory_space<hbm>> -> memref<1x16xi32, #tpu.memory_space<hbm>>
      %dma_start3A_50 = tpu.memref_squeeze %dma_start3A_49 : memref<1x16xi32, #tpu.memory_space<hbm>> -> memref<16xi32, #tpu.memory_space<hbm>>
      tpu.enqueue_dma source(%dma_start3A_50 : memref<16xi32, #tpu.memory_space<hbm>>) target(%arg10 : memref<16xi32, #tpu.memory_space<vmem>>) target_semaphore(%run_scoped3A : memref<!tpu.dma_semaphore, #tpu.memory_space<semaphore_mem>>)
      %dma_wait3A = arith.constant 0 : i32
      %dma_wait3A_51 = tpu.memref_slice %arg4[%add3A_2, %dma_wait3A] : memref<64x16xi32, #tpu.memory_space<hbm>> -> memref<1x16xi32, #tpu.memory_space<hbm>>
      %dma_wait3A_52 = tpu.memref_squeeze %dma_wait3A_51 : memref<1x16xi32, #tpu.memory_space<hbm>> -> memref<16xi32, #tpu.memory_space<hbm>>
      %dma_wait3A_53 = arith.constant 0 : i32
      %dma_wait3A_54 = tpu.memref_slice %arg4[%add3A_2, %dma_wait3A_53] : memref<64x16xi32, #tpu.memory_space<hbm>> -> memref<1x16xi32, #tpu.memory_space<hbm>>
      %dma_wait3A_55 = tpu.memref_squeeze %dma_wait3A_54 : memref<1x16xi32, #tpu.memory_space<hbm>> -> memref<16xi32, #tpu.memory_space<hbm>>
      tpu.wait_dma2 semaphore(%run_scoped3A : memref<!tpu.dma_semaphore, #tpu.memory_space<semaphore_mem>>) src(%dma_wait3A_55 : memref<16xi32, #tpu.memory_space<hbm>>) dst(%arg10 : memref<16xi32, #tpu.memory_space<vmem>>)
      tpu.yield
    }) : () -> ()
    %get3A = arith.constant 0 : index
    %get3A_3 = tpu.vector_load %arg10[%get3A] {strides = array<i32>} : memref<16xi32, #tpu.memory_space<vmem>>, vector<16xi32>,
    %get3A_4 = vector.shape_cast %get3A_3 : vector<16xi32> to vector<16xi32>
    %dma_start3A = arith.constant 0 : i32
    %dma_start3A_5 = arith.constant 0 : i32
    %dma_start3A_6 = tpu.memref_slice %arg2[%add3A_2, %dma_start3A, %dma_start3A_5] : memref<64x512x512xf32, #tpu.memory_space<hbm>> -> memref<1x32x512xf32, #tpu.memory_space<hbm>>
    %dma_start3A_7 = tpu.memref_squeeze %dma_start3A_6 : memref<1x32x512xf32, #tpu.memory_space<hbm>> -> memref<32x512xf32, #tpu.memory_space<hbm>>
    %dma_start3A_8 = arith.constant 0 : i32
    %dma_start3A_9 = arith.constant 0 : i32
    %dma_start3A_10 = tpu.memref_slice %arg2[%add3A_2, %dma_start3A_8, %dma_start3A_9] : memref<64x512x512xf32, #tpu.memory_space<hbm>> -> memref<1x32x512xf32, #tpu.memory_space<hbm>>
    %dma_start3A_11 = tpu.memref_squeeze %dma_start3A_10 : memref<1x32x512xf32, #tpu.memory_space<hbm>> -> memref<32x512xf32, #tpu.memory_space<hbm>>
    tpu.enqueue_dma source(%dma_start3A_11 : memref<32x512xf32, #tpu.memory_space<hbm>>) target(%arg6 : memref<32x512xf32, #tpu.memory_space<vmem>>) target_semaphore(%arg12 : memref<!tpu.dma_semaphore, #tpu.memory_space<semaphore_mem>>)
    %dma_start3A_12 = arith.constant 0 : i32
    %dma_start3A_13 = arith.constant 0 : i32
    %dma_start3A_14 = tpu.memref_slice %arg3[%add3A_2, %dma_start3A_12, %dma_start3A_13] : memref<64x512x512xi32, #tpu.memory_space<hbm>> -> memref<1x32x512xi32, #tpu.memory_space<hbm>>
    %dma_start3A_15 = tpu.memref_squeeze %dma_start3A_14 : memref<1x32x512xi32, #tpu.memory_space<hbm>> -> memref<32x512xi32, #tpu.memory_space<hbm>>
    %dma_start3A_16 = arith.constant 0 : i32
    %dma_start3A_17 = arith.constant 0 : i32
    %dma_start3A_18 = tpu.memref_slice %arg3[%add3A_2, %dma_start3A_16, %dma_start3A_17] : memref<64x512x512xi32, #tpu.memory_space<hbm>> -> memref<1x32x512xi32, #tpu.memory_space<hbm>>
    %dma_start3A_19 = tpu.memref_squeeze %dma_start3A_18 : memref<1x32x512xi32, #tpu.memory_space<hbm>> -> memref<32x512xi32, #tpu.memory_space<hbm>>
    tpu.enqueue_dma source(%dma_start3A_19 : memref<32x512xi32, #tpu.memory_space<hbm>>) target(%arg8 : memref<32x512xi32, #tpu.memory_space<vmem>>) target_semaphore(%arg14 : memref<!tpu.dma_semaphore, #tpu.memory_space<semaphore_mem>>)
    %dma_start3A_20 = arith.constant 32 : i32
    %dma_start3A_21 = arith.constant 0 : i32
    %dma_start3A_22 = tpu.memref_slice %arg2[%add3A_2, %dma_start3A_20, %dma_start3A_21] : memref<64x512x512xf32, #tpu.memory_space<hbm>> -> memref<1x32x512xf32, #tpu.memory_space<hbm>>
    %dma_start3A_23 = tpu.memref_squeeze %dma_start3A_22 : memref<1x32x512xf32, #tpu.memory_space<hbm>> -> memref<32x512xf32, #tpu.memory_space<hbm>>
    %dma_start3A_24 = arith.constant 32 : i32
    %dma_start3A_25 = arith.constant 0 : i32
    %dma_start3A_26 = tpu.memref_slice %arg2[%add3A_2, %dma_start3A_24, %dma_start3A_25] : memref<64x512x512xf32, #tpu.memory_space<hbm>> -> memref<1x32x512xf32, #tpu.memory_space<hbm>>
    %dma_start3A_27 = tpu.memref_squeeze %dma_start3A_26 : memref<1x32x512xf32, #tpu.memory_space<hbm>> -> memref<32x512xf32, #tpu.memory_space<hbm>>
    tpu.enqueue_dma source(%dma_start3A_27 : memref<32x512xf32, #tpu.memory_space<hbm>>) target(%arg7 : memref<32x512xf32, #tpu.memory_space<vmem>>) target_semaphore(%arg13 : memref<!tpu.dma_semaphore, #tpu.memory_space<semaphore_mem>>)
    %dma_start3A_28 = arith.constant 32 : i32
    %dma_start3A_29 = arith.constant 0 : i32
    %dma_start3A_30 = tpu.memref_slice %arg3[%add3A_2, %dma_start3A_28, %dma_start3A_29] : memref<64x512x512xi32, #tpu.memory_space<hbm>> -> memref<1x32x512xi32, #tpu.memory_space<hbm>>
    %dma_start3A_31 = tpu.memref_squeeze %dma_start3A_30 : memref<1x32x512xi32, #tpu.memory_space<hbm>> -> memref<32x512xi32, #tpu.memory_space<hbm>>
    %dma_start3A_32 = arith.constant 32 : i32
    %dma_start3A_33 = arith.constant 0 : i32
    %dma_start3A_34 = tpu.memref_slice %arg3[%add3A_2, %dma_start3A_32, %dma_start3A_33] : memref<64x512x512xi32, #tpu.memory_space<hbm>> -> memref<1x32x512xi32, #tpu.memory_space<hbm>>
    %dma_start3A_35 = tpu.memref_squeeze %dma_start3A_34 : memref<1x32x512xi32, #tpu.memory_space<hbm>> -> memref<32x512xi32, #tpu.memory_space<hbm>>
    tpu.enqueue_dma source(%dma_start3A_35 : memref<32x512xi32, #tpu.memory_space<hbm>>) target(%arg9 : memref<32x512xi32, #tpu.memory_space<vmem>>) target_semaphore(%arg15 : memref<!tpu.dma_semaphore, #tpu.memory_space<semaphore_mem>>)
    %broadcast_in_dim3A = arith.constant -1.000000e+30 : f32
    %broadcast_in_dim3A_36 = vector.broadcast %broadcast_in_dim3A : f32 to vector<16xf32>
    %scan3A = arith.constant 0 : i32
    %scan3A_37 = arith.constant 8 : i32
    %scan3A_38 = arith.addi %scan3A, %scan3A_37 : i32
    %scan3A_39 = arith.constant 1 : i32
    %scan3A_40 = scf.for %scan3A_45 = %scan3A to %scan3A_38 step %scan3A_39 iter_args(%scan3A_46 = %broadcast_in_dim3A_36) -> (vector<16xf32>)  : i32 {
      %mul3A_47 = arith.constant 2 : i32
      %mul3A_48 = arith.muli %mul3A_47, %scan3A_45 : i32
      %add3A_49 = arith.constant 0 : i32
      %add3A_50 = arith.addi %mul3A_48, %add3A_49 : i32
      %mul3A_51 = arith.constant 32 : i32
      %mul3A_52 = arith.muli %add3A_50, %mul3A_51 : i32
      %dma_wait3A = arith.constant 0 : i32
      %dma_wait3A_53 = tpu.memref_slice %arg2[%add3A_2, %mul3A_52, %dma_wait3A] : memref<64x512x512xf32, #tpu.memory_space<hbm>> -> memref<1x32x512xf32, #tpu.memory_space<hbm>>
      %dma_wait3A_54 = tpu.memref_squeeze %dma_wait3A_53 : memref<1x32x512xf32, #tpu.memory_space<hbm>> -> memref<32x512xf32, #tpu.memory_space<hbm>>
      %dma_wait3A_55 = arith.constant 0 : i32
      %dma_wait3A_56 = tpu.memref_slice %arg2[%add3A_2, %mul3A_52, %dma_wait3A_55] : memref<64x512x512xf32, #tpu.memory_space<hbm>> -> memref<1x32x512xf32, #tpu.memory_space<hbm>>
      %dma_wait3A_57 = tpu.memref_squeeze %dma_wait3A_56 : memref<1x32x512xf32, #tpu.memory_space<hbm>> -> memref<32x512xf32, #tpu.memory_space<hbm>>
      tpu.wait_dma2 semaphore(%arg12 : memref<!tpu.dma_semaphore, #tpu.memory_space<semaphore_mem>>) src(%dma_wait3A_57 : memref<32x512xf32, #tpu.memory_space<hbm>>) dst(%arg6 : memref<32x512xf32, #tpu.memory_space<vmem>>)
      %mul3A_58 = arith.constant 32 : i32
      %mul3A_59 = arith.muli %add3A_50, %mul3A_58 : i32
      %dma_wait3A_60 = arith.constant 0 : i32
      %dma_wait3A_61 = tpu.memref_slice %arg3[%add3A_2, %mul3A_59, %dma_wait3A_60] : memref<64x512x512xi32, #tpu.memory_space<hbm>> -> memref<1x32x512xi32, #tpu.memory_space<hbm>>
      %dma_wait3A_62 = tpu.memref_squeeze %dma_wait3A_61 : memref<1x32x512xi32, #tpu.memory_space<hbm>> -> memref<32x512xi32, #tpu.memory_space<hbm>>
      %dma_wait3A_63 = arith.constant 0 : i32
      %dma_wait3A_64 = tpu.memref_slice %arg3[%add3A_2, %mul3A_59, %dma_wait3A_63] : memref<64x512x512xi32, #tpu.memory_space<hbm>> -> memref<1x32x512xi32, #tpu.memory_space<hbm>>
      %dma_wait3A_65 = tpu.memref_squeeze %dma_wait3A_64 : memref<1x32x512xi32, #tpu.memory_space<hbm>> -> memref<32x512xi32, #tpu.memory_space<hbm>>
      tpu.wait_dma2 semaphore(%arg14 : memref<!tpu.dma_semaphore, #tpu.memory_space<semaphore_mem>>) src(%dma_wait3A_65 : memref<32x512xi32, #tpu.memory_space<hbm>>) dst(%arg8 : memref<32x512xi32, #tpu.memory_space<vmem>>)
      %scan3A_66 = arith.constant 0 : i32
      %scan3A_67 = arith.constant 64 : i32
      %scan3A_68 = arith.addi %scan3A_66, %scan3A_67 : i32
      %scan3A_69 = arith.constant 1 : i32
      %scan3A_70 = scf.for %scan3A_109 = %scan3A_66 to %scan3A_68 step %scan3A_69 iter_args(%scan3A_110 = %scan3A_46) -> (vector<16xf32>)  : i32 {
        %shift_right_arithmetic3A = arith.constant 1 : i32
        %shift_right_arithmetic3A_111 = arith.shrsi %scan3A_109, %shift_right_arithmetic3A : i32
        %and3A = arith.constant 1 : i32
        %and3A_112 = arith.andi %scan3A_109, %and3A : i32
        %mul3A_113 = arith.constant 256 : i32
        %mul3A_114 = arith.muli %and3A_112, %mul3A_113 : i32
        %add3A_115 = arith.constant 0 : i32
        %add3A_116 = arith.addi %mul3A_114, %add3A_115 : i32
        %get3A_117 = arith.index_cast %shift_right_arithmetic3A_111 : i32 to index
        %get3A_118 = arith.index_cast %add3A_116 : i32 to index
        %get3A_119 = tpu.vector_load %arg8[%get3A_117, %get3A_118] {strides = array<i32>} : memref<32x512xi32, #tpu.memory_space<vmem>>, vector<1x16xi32>,
        %get3A_120 = vector.shape_cast %get3A_119 : vector<1x16xi32> to vector<16xi32>
        %add3A_121 = arith.constant 0 : i32
        %add3A_122 = arith.addi %mul3A_114, %add3A_121 : i32
        %get3A_123 = arith.index_cast %shift_right_arithmetic3A_111 : i32 to index
        %get3A_124 = arith.index_cast %add3A_122 : i32 to index
        %get3A_125 = tpu.vector_load %arg6[%get3A_123, %get3A_124] {strides = array<i32>} : memref<32x512xf32, #tpu.memory_space<vmem>>, vector<1x16xf32>,
        %get3A_126 = vector.shape_cast %get3A_125 : vector<1x16xf32> to vector<16xf32>
        %eq3A = arith.cmpi eq, %get3A_120, %get3A_4 : vector<16xi32>
        %jit3A = arith.constant -1.000000e+30 : f32
        %broadcast_in_dim3A_127 = vector.broadcast %jit3A : f32 to vector<16xf32>
        %select_n3A = arith.select %eq3A, %get3A_126, %broadcast_in_dim3A_127 : vector<16xi1>, vector<16xf32>
        %max3A = arith.maximumf %scan3A_110, %select_n3A : vector<16xf32>
        %add3A_128 = arith.constant 16 : i32
        %add3A_129 = arith.addi %mul3A_114, %add3A_128 : i32
        %get3A_130 = arith.index_cast %shift_right_arithmetic3A_111 : i32 to index
        %get3A_131 = arith.index_cast %add3A_129 : i32 to index
        %get3A_132 = tpu.vector_load %arg8[%get3A_130, %get3A_131] {strides = array<i32>} : memref<32x512xi32, #tpu.memory_space<vmem>>, vector<1x16xi32>,
        %get3A_133 = vector.shape_cast %get3A_132 : vector<1x16xi32> to vector<16xi32>
        %add3A_134 = arith.constant 16 : i32
        %add3A_135 = arith.addi %mul3A_114, %add3A_134 : i32
        %get3A_136 = arith.index_cast %shift_right_arithmetic3A_111 : i32 to index
        %get3A_137 = arith.index_cast %add3A_135 : i32 to index
        %get3A_138 = tpu.vector_load %arg6[%get3A_136, %get3A_137] {strides = array<i32>} : memref<32x512xf32, #tpu.memory_space<vmem>>, vector<1x16xf32>,
        %get3A_139 = vector.shape_cast %get3A_138 : vector<1x16xf32> to vector<16xf32>
        %eq3A_140 = arith.cmpi eq, %get3A_133, %get3A_4 : vector<16xi32>
        %jit3A_141 = arith.constant -1.000000e+30 : f32
        %broadcast_in_dim3A_142 = vector.broadcast %jit3A_141 : f32 to vector<16xf32>
        %select_n3A_143 = arith.select %eq3A_140, %get3A_139, %broadcast_in_dim3A_142 : vector<16xi1>, vector<16xf32>
        %max3A_144 = arith.maximumf %max3A, %select_n3A_143 : vector<16xf32>
        %add3A_145 = arith.constant 32 : i32
        %add3A_146 = arith.addi %mul3A_114, %add3A_145 : i32
        %get3A_147 = arith.index_cast %shift_right_arithmetic3A_111 : i32 to index
        %get3A_148 = arith.index_cast %add3A_146 : i32 to index
        %get3A_149 = tpu.vector_load %arg8[%get3A_147, %get3A_148] {strides = array<i32>} : memref<32x512xi32, #tpu.memory_space<vmem>>, vector<1x16xi32>,
        %get3A_150 = vector.shape_cast %get3A_149 : vector<1x16xi32> to vector<16xi32>
        %add3A_151 = arith.constant 32 : i32
        %add3A_152 = arith.addi %mul3A_114, %add3A_151 : i32
        %get3A_153 = arith.index_cast %shift_right_arithmetic3A_111 : i32 to index
        %get3A_154 = arith.index_cast %add3A_152 : i32 to index
        %get3A_155 = tpu.vector_load %arg6[%get3A_153, %get3A_154] {strides = array<i32>} : memref<32x512xf32, #tpu.memory_space<vmem>>, vector<1x16xf32>,
        %get3A_156 = vector.shape_cast %get3A_155 : vector<1x16xf32> to vector<16xf32>
        %eq3A_157 = arith.cmpi eq, %get3A_150, %get3A_4 : vector<16xi32>
        %jit3A_158 = arith.constant -1.000000e+30 : f32
        %broadcast_in_dim3A_159 = vector.broadcast %jit3A_158 : f32 to vector<16xf32>
        %select_n3A_160 = arith.select %eq3A_157, %get3A_156, %broadcast_in_dim3A_159 : vector<16xi1>, vector<16xf32>
        %max3A_161 = arith.maximumf %max3A_144, %select_n3A_160 : vector<16xf32>
        %add3A_162 = arith.constant 48 : i32
        %add3A_163 = arith.addi %mul3A_114, %add3A_162 : i32
        %get3A_164 = arith.index_cast %shift_right_arithmetic3A_111 : i32 to index
        %get3A_165 = arith.index_cast %add3A_163 : i32 to index
        %get3A_166 = tpu.vector_load %arg8[%get3A_164, %get3A_165] {strides = array<i32>} : memref<32x512xi32, #tpu.memory_space<vmem>>, vector<1x16xi32>,
        %get3A_167 = vector.shape_cast %get3A_166 : vector<1x16xi32> to vector<16xi32>
        %add3A_168 = arith.constant 48 : i32
        %add3A_169 = arith.addi %mul3A_114, %add3A_168 : i32
        %get3A_170 = arith.index_cast %shift_right_arithmetic3A_111 : i32 to index
        %get3A_171 = arith.index_cast %add3A_169 : i32 to index
        %get3A_172 = tpu.vector_load %arg6[%get3A_170, %get3A_171] {strides = array<i32>} : memref<32x512xf32, #tpu.memory_space<vmem>>, vector<1x16xf32>,
        %get3A_173 = vector.shape_cast %get3A_172 : vector<1x16xf32> to vector<16xf32>
        %eq3A_174 = arith.cmpi eq, %get3A_167, %get3A_4 : vector<16xi32>
        %jit3A_175 = arith.constant -1.000000e+30 : f32
        %broadcast_in_dim3A_176 = vector.broadcast %jit3A_175 : f32 to vector<16xf32>
        %select_n3A_177 = arith.select %eq3A_174, %get3A_173, %broadcast_in_dim3A_176 : vector<16xi1>, vector<16xf32>
        %max3A_178 = arith.maximumf %max3A_161, %select_n3A_177 : vector<16xf32>
        %add3A_179 = arith.constant 64 : i32
        %add3A_180 = arith.addi %mul3A_114, %add3A_179 : i32
        %get3A_181 = arith.index_cast %shift_right_arithmetic3A_111 : i32 to index
        %get3A_182 = arith.index_cast %add3A_180 : i32 to index
        %get3A_183 = tpu.vector_load %arg8[%get3A_181, %get3A_182] {strides = array<i32>} : memref<32x512xi32, #tpu.memory_space<vmem>>, vector<1x16xi32>,
        %get3A_184 = vector.shape_cast %get3A_183 : vector<1x16xi32> to vector<16xi32>
        %add3A_185 = arith.constant 64 : i32
        %add3A_186 = arith.addi %mul3A_114, %add3A_185 : i32
        %get3A_187 = arith.index_cast %shift_right_arithmetic3A_111 : i32 to index
        %get3A_188 = arith.index_cast %add3A_186 : i32 to index
        %get3A_189 = tpu.vector_load %arg6[%get3A_187, %get3A_188] {strides = array<i32>} : memref<32x512xf32, #tpu.memory_space<vmem>>, vector<1x16xf32>,
        %get3A_190 = vector.shape_cast %get3A_189 : vector<1x16xf32> to vector<16xf32>
        %eq3A_191 = arith.cmpi eq, %get3A_184, %get3A_4 : vector<16xi32>
        %jit3A_192 = arith.constant -1.000000e+30 : f32
        %broadcast_in_dim3A_193 = vector.broadcast %jit3A_192 : f32 to vector<16xf32>
        %select_n3A_194 = arith.select %eq3A_191, %get3A_190, %broadcast_in_dim3A_193 : vector<16xi1>, vector<16xf32>
        %max3A_195 = arith.maximumf %max3A_178, %select_n3A_194 : vector<16xf32>
        %add3A_196 = arith.constant 80 : i32
        %add3A_197 = arith.addi %mul3A_114, %add3A_196 : i32
        %get3A_198 = arith.index_cast %shift_right_arithmetic3A_111 : i32 to index
        %get3A_199 = arith.index_cast %add3A_197 : i32 to index
        %get3A_200 = tpu.vector_load %arg8[%get3A_198, %get3A_199] {strides = array<i32>} : memref<32x512xi32, #tpu.memory_space<vmem>>, vector<1x16xi32>,
        %get3A_201 = vector.shape_cast %get3A_200 : vector<1x16xi32> to vector<16xi32>
        %add3A_202 = arith.constant 80 : i32
        %add3A_203 = arith.addi %mul3A_114, %add3A_202 : i32
        %get3A_204 = arith.index_cast %shift_right_arithmetic3A_111 : i32 to index
        %get3A_205 = arith.index_cast %add3A_203 : i32 to index
        %get3A_206 = tpu.vector_load %arg6[%get3A_204, %get3A_205] {strides = array<i32>} : memref<32x512xf32, #tpu.memory_space<vmem>>, vector<1x16xf32>,
        %get3A_207 = vector.shape_cast %get3A_206 : vector<1x16xf32> to vector<16xf32>
        %eq3A_208 = arith.cmpi eq, %get3A_201, %get3A_4 : vector<16xi32>
        %jit3A_209 = arith.constant -1.000000e+30 : f32
        %broadcast_in_dim3A_210 = vector.broadcast %jit3A_209 : f32 to vector<16xf32>
        %select_n3A_211 = arith.select %eq3A_208, %get3A_207, %broadcast_in_dim3A_210 : vector<16xi1>, vector<16xf32>
        %max3A_212 = arith.maximumf %max3A_195, %select_n3A_211 : vector<16xf32>
        %add3A_213 = arith.constant 96 : i32
        %add3A_214 = arith.addi %mul3A_114, %add3A_213 : i32
        %get3A_215 = arith.index_cast %shift_right_arithmetic3A_111 : i32 to index
        %get3A_216 = arith.index_cast %add3A_214 : i32 to index
        %get3A_217 = tpu.vector_load %arg8[%get3A_215, %get3A_216] {strides = array<i32>} : memref<32x512xi32, #tpu.memory_space<vmem>>, vector<1x16xi32>,
        %get3A_218 = vector.shape_cast %get3A_217 : vector<1x16xi32> to vector<16xi32>
        %add3A_219 = arith.constant 96 : i32
        %add3A_220 = arith.addi %mul3A_114, %add3A_219 : i32
        %get3A_221 = arith.index_cast %shift_right_arithmetic3A_111 : i32 to index
        %get3A_222 = arith.index_cast %add3A_220 : i32 to index
        %get3A_223 = tpu.vector_load %arg6[%get3A_221, %get3A_222] {strides = array<i32>} : memref<32x512xf32, #tpu.memory_space<vmem>>, vector<1x16xf32>,
        %get3A_224 = vector.shape_cast %get3A_223 : vector<1x16xf32> to vector<16xf32>
        %eq3A_225 = arith.cmpi eq, %get3A_218, %get3A_4 : vector<16xi32>
        %jit3A_226 = arith.constant -1.000000e+30 : f32
        %broadcast_in_dim3A_227 = vector.broadcast %jit3A_226 : f32 to vector<16xf32>
        %select_n3A_228 = arith.select %eq3A_225, %get3A_224, %broadcast_in_dim3A_227 : vector<16xi1>, vector<16xf32>
        %max3A_229 = arith.maximumf %max3A_212, %select_n3A_228 : vector<16xf32>
        %add3A_230 = arith.constant 112 : i32
        %add3A_231 = arith.addi %mul3A_114, %add3A_230 : i32
        %get3A_232 = arith.index_cast %shift_right_arithmetic3A_111 : i32 to index
        %get3A_233 = arith.index_cast %add3A_231 : i32 to index
        %get3A_234 = tpu.vector_load %arg8[%get3A_232, %get3A_233] {strides = array<i32>} : memref<32x512xi32, #tpu.memory_space<vmem>>, vector<1x16xi32>,
        %get3A_235 = vector.shape_cast %get3A_234 : vector<1x16xi32> to vector<16xi32>
        %add3A_236 = arith.constant 112 : i32
        %add3A_237 = arith.addi %mul3A_114, %add3A_236 : i32
        %get3A_238 = arith.index_cast %shift_right_arithmetic3A_111 : i32 to index
        %get3A_239 = arith.index_cast %add3A_237 : i32 to index
        %get3A_240 = tpu.vector_load %arg6[%get3A_238, %get3A_239] {strides = array<i32>} : memref<32x512xf32, #tpu.memory_space<vmem>>, vector<1x16xf32>,
        %get3A_241 = vector.shape_cast %get3A_240 : vector<1x16xf32> to vector<16xf32>
        %eq3A_242 = arith.cmpi eq, %get3A_235, %get3A_4 : vector<16xi32>
        %jit3A_243 = arith.constant -1.000000e+30 : f32
        %broadcast_in_dim3A_244 = vector.broadcast %jit3A_243 : f32 to vector<16xf32>
        %select_n3A_245 = arith.select %eq3A_242, %get3A_241, %broadcast_in_dim3A_244 : vector<16xi1>, vector<16xf32>
        %max3A_246 = arith.maximumf %max3A_229, %select_n3A_245 : vector<16xf32>
        %add3A_247 = arith.constant 128 : i32
        %add3A_248 = arith.addi %mul3A_114, %add3A_247 : i32
        %get3A_249 = arith.index_cast %shift_right_arithmetic3A_111 : i32 to index
        %get3A_250 = arith.index_cast %add3A_248 : i32 to index
        %get3A_251 = tpu.vector_load %arg8[%get3A_249, %get3A_250] {strides = array<i32>} : memref<32x512xi32, #tpu.memory_space<vmem>>, vector<1x16xi32>,
        %get3A_252 = vector.shape_cast %get3A_251 : vector<1x16xi32> to vector<16xi32>
        %add3A_253 = arith.constant 128 : i32
        %add3A_254 = arith.addi %mul3A_114, %add3A_253 : i32
        %get3A_255 = arith.index_cast %shift_right_arithmetic3A_111 : i32 to index
        %get3A_256 = arith.index_cast %add3A_254 : i32 to index
        %get3A_257 = tpu.vector_load %arg6[%get3A_255, %get3A_256] {strides = array<i32>} : memref<32x512xf32, #tpu.memory_space<vmem>>, vector<1x16xf32>,
        %get3A_258 = vector.shape_cast %get3A_257 : vector<1x16xf32> to vector<16xf32>
        %eq3A_259 = arith.cmpi eq, %get3A_252, %get3A_4 : vector<16xi32>
        %jit3A_260 = arith.constant -1.000000e+30 : f32
        %broadcast_in_dim3A_261 = vector.broadcast %jit3A_260 : f32 to vector<16xf32>
        %select_n3A_262 = arith.select %eq3A_259, %get3A_258, %broadcast_in_dim3A_261 : vector<16xi1>, vector<16xf32>
        %max3A_263 = arith.maximumf %max3A_246, %select_n3A_262 : vector<16xf32>
        %add3A_264 = arith.constant 144 : i32
        %add3A_265 = arith.addi %mul3A_114, %add3A_264 : i32
        %get3A_266 = arith.index_cast %shift_right_arithmetic3A_111 : i32 to index
        %get3A_267 = arith.index_cast %add3A_265 : i32 to index
        %get3A_268 = tpu.vector_load %arg8[%get3A_266, %get3A_267] {strides = array<i32>} : memref<32x512xi32, #tpu.memory_space<vmem>>, vector<1x16xi32>,
        %get3A_269 = vector.shape_cast %get3A_268 : vector<1x16xi32> to vector<16xi32>
        %add3A_270 = arith.constant 144 : i32
        %add3A_271 = arith.addi %mul3A_114, %add3A_270 : i32
        %get3A_272 = arith.index_cast %shift_right_arithmetic3A_111 : i32 to index
        %get3A_273 = arith.index_cast %add3A_271 : i32 to index
        %get3A_274 = tpu.vector_load %arg6[%get3A_272, %get3A_273] {strides = array<i32>} : memref<32x512xf32, #tpu.memory_space<vmem>>, vector<1x16xf32>,
        %get3A_275 = vector.shape_cast %get3A_274 : vector<1x16xf32> to vector<16xf32>
        %eq3A_276 = arith.cmpi eq, %get3A_269, %get3A_4 : vector<16xi32>
        %jit3A_277 = arith.constant -1.000000e+30 : f32
        %broadcast_in_dim3A_278 = vector.broadcast %jit3A_277 : f32 to vector<16xf32>
        %select_n3A_279 = arith.select %eq3A_276, %get3A_275, %broadcast_in_dim3A_278 : vector<16xi1>, vector<16xf32>
        %max3A_280 = arith.maximumf %max3A_263, %select_n3A_279 : vector<16xf32>
        %add3A_281 = arith.constant 160 : i32
        %add3A_282 = arith.addi %mul3A_114, %add3A_281 : i32
        %get3A_283 = arith.index_cast %shift_right_arithmetic3A_111 : i32 to index
        %get3A_284 = arith.index_cast %add3A_282 : i32 to index
        %get3A_285 = tpu.vector_load %arg8[%get3A_283, %get3A_284] {strides = array<i32>} : memref<32x512xi32, #tpu.memory_space<vmem>>, vector<1x16xi32>,
        %get3A_286 = vector.shape_cast %get3A_285 : vector<1x16xi32> to vector<16xi32>
        %add3A_287 = arith.constant 160 : i32
        %add3A_288 = arith.addi %mul3A_114, %add3A_287 : i32
        %get3A_289 = arith.index_cast %shift_right_arithmetic3A_111 : i32 to index
        %get3A_290 = arith.index_cast %add3A_288 : i32 to index
        %get3A_291 = tpu.vector_load %arg6[%get3A_289, %get3A_290] {strides = array<i32>} : memref<32x512xf32, #tpu.memory_space<vmem>>, vector<1x16xf32>,
        %get3A_292 = vector.shape_cast %get3A_291 : vector<1x16xf32> to vector<16xf32>
        %eq3A_293 = arith.cmpi eq, %get3A_286, %get3A_4 : vector<16xi32>
        %jit3A_294 = arith.constant -1.000000e+30 : f32
        %broadcast_in_dim3A_295 = vector.broadcast %jit3A_294 : f32 to vector<16xf32>
        %select_n3A_296 = arith.select %eq3A_293, %get3A_292, %broadcast_in_dim3A_295 : vector<16xi1>, vector<16xf32>
        %max3A_297 = arith.maximumf %max3A_280, %select_n3A_296 : vector<16xf32>
        %add3A_298 = arith.constant 176 : i32
        %add3A_299 = arith.addi %mul3A_114, %add3A_298 : i32
        %get3A_300 = arith.index_cast %shift_right_arithmetic3A_111 : i32 to index
        %get3A_301 = arith.index_cast %add3A_299 : i32 to index
        %get3A_302 = tpu.vector_load %arg8[%get3A_300, %get3A_301] {strides = array<i32>} : memref<32x512xi32, #tpu.memory_space<vmem>>, vector<1x16xi32>,
        %get3A_303 = vector.shape_cast %get3A_302 : vector<1x16xi32> to vector<16xi32>
        %add3A_304 = arith.constant 176 : i32
        %add3A_305 = arith.addi %mul3A_114, %add3A_304 : i32
        %get3A_306 = arith.index_cast %shift_right_arithmetic3A_111 : i32 to index
        %get3A_307 = arith.index_cast %add3A_305 : i32 to index
        %get3A_308 = tpu.vector_load %arg6[%get3A_306, %get3A_307] {strides = array<i32>} : memref<32x512xf32, #tpu.memory_space<vmem>>, vector<1x16xf32>,
        %get3A_309 = vector.shape_cast %get3A_308 : vector<1x16xf32> to vector<16xf32>
        %eq3A_310 = arith.cmpi eq, %get3A_303, %get3A_4 : vector<16xi32>
        %jit3A_311 = arith.constant -1.000000e+30 : f32
        %broadcast_in_dim3A_312 = vector.broadcast %jit3A_311 : f32 to vector<16xf32>
        %select_n3A_313 = arith.select %eq3A_310, %get3A_309, %broadcast_in_dim3A_312 : vector<16xi1>, vector<16xf32>
        %max3A_314 = arith.maximumf %max3A_297, %select_n3A_313 : vector<16xf32>
        %add3A_315 = arith.constant 192 : i32
        %add3A_316 = arith.addi %mul3A_114, %add3A_315 : i32
        %get3A_317 = arith.index_cast %shift_right_arithmetic3A_111 : i32 to index
        %get3A_318 = arith.index_cast %add3A_316 : i32 to index
        %get3A_319 = tpu.vector_load %arg8[%get3A_317, %get3A_318] {strides = array<i32>} : memref<32x512xi32, #tpu.memory_space<vmem>>, vector<1x16xi32>,
        %get3A_320 = vector.shape_cast %get3A_319 : vector<1x16xi32> to vector<16xi32>
        %add3A_321 = arith.constant 192 : i32
        %add3A_322 = arith.addi %mul3A_114, %add3A_321 : i32
        %get3A_323 = arith.index_cast %shift_right_arithmetic3A_111 : i32 to index
        %get3A_324 = arith.index_cast %add3A_322 : i32 to index
        %get3A_325 = tpu.vector_load %arg6[%get3A_323, %get3A_324] {strides = array<i32>} : memref<32x512xf32, #tpu.memory_space<vmem>>, vector<1x16xf32>,
        %get3A_326 = vector.shape_cast %get3A_325 : vector<1x16xf32> to vector<16xf32>
        %eq3A_327 = arith.cmpi eq, %get3A_320, %get3A_4 : vector<16xi32>
        %jit3A_328 = arith.constant -1.000000e+30 : f32
        %broadcast_in_dim3A_329 = vector.broadcast %jit3A_328 : f32 to vector<16xf32>
        %select_n3A_330 = arith.select %eq3A_327, %get3A_326, %broadcast_in_dim3A_329 : vector<16xi1>, vector<16xf32>
        %max3A_331 = arith.maximumf %max3A_314, %select_n3A_330 : vector<16xf32>
        %add3A_332 = arith.constant 208 : i32
        %add3A_333 = arith.addi %mul3A_114, %add3A_332 : i32
        %get3A_334 = arith.index_cast %shift_right_arithmetic3A_111 : i32 to index
        %get3A_335 = arith.index_cast %add3A_333 : i32 to index
        %get3A_336 = tpu.vector_load %arg8[%get3A_334, %get3A_335] {strides = array<i32>} : memref<32x512xi32, #tpu.memory_space<vmem>>, vector<1x16xi32>,
        %get3A_337 = vector.shape_cast %get3A_336 : vector<1x16xi32> to vector<16xi32>
        %add3A_338 = arith.constant 208 : i32
        %add3A_339 = arith.addi %mul3A_114, %add3A_338 : i32
        %get3A_340 = arith.index_cast %shift_right_arithmetic3A_111 : i32 to index
        %get3A_341 = arith.index_cast %add3A_339 : i32 to index
        %get3A_342 = tpu.vector_load %arg6[%get3A_340, %get3A_341] {strides = array<i32>} : memref<32x512xf32, #tpu.memory_space<vmem>>, vector<1x16xf32>,
        %get3A_343 = vector.shape_cast %get3A_342 : vector<1x16xf32> to vector<16xf32>
        %eq3A_344 = arith.cmpi eq, %get3A_337, %get3A_4 : vector<16xi32>
        %jit3A_345 = arith.constant -1.000000e+30 : f32
        %broadcast_in_dim3A_346 = vector.broadcast %jit3A_345 : f32 to vector<16xf32>
        %select_n3A_347 = arith.select %eq3A_344, %get3A_343, %broadcast_in_dim3A_346 : vector<16xi1>, vector<16xf32>
        %max3A_348 = arith.maximumf %max3A_331, %select_n3A_347 : vector<16xf32>
        %add3A_349 = arith.constant 224 : i32
        %add3A_350 = arith.addi %mul3A_114, %add3A_349 : i32
        %get3A_351 = arith.index_cast %shift_right_arithmetic3A_111 : i32 to index
        %get3A_352 = arith.index_cast %add3A_350 : i32 to index
        %get3A_353 = tpu.vector_load %arg8[%get3A_351, %get3A_352] {strides = array<i32>} : memref<32x512xi32, #tpu.memory_space<vmem>>, vector<1x16xi32>,
        %get3A_354 = vector.shape_cast %get3A_353 : vector<1x16xi32> to vector<16xi32>
        %add3A_355 = arith.constant 224 : i32
        %add3A_356 = arith.addi %mul3A_114, %add3A_355 : i32
        %get3A_357 = arith.index_cast %shift_right_arithmetic3A_111 : i32 to index
        %get3A_358 = arith.index_cast %add3A_356 : i32 to index
        %get3A_359 = tpu.vector_load %arg6[%get3A_357, %get3A_358] {strides = array<i32>} : memref<32x512xf32, #tpu.memory_space<vmem>>, vector<1x16xf32>,
        %get3A_360 = vector.shape_cast %get3A_359 : vector<1x16xf32> to vector<16xf32>
        %eq3A_361 = arith.cmpi eq, %get3A_354, %get3A_4 : vector<16xi32>
        %jit3A_362 = arith.constant -1.000000e+30 : f32
        %broadcast_in_dim3A_363 = vector.broadcast %jit3A_362 : f32 to vector<16xf32>
        %select_n3A_364 = arith.select %eq3A_361, %get3A_360, %broadcast_in_dim3A_363 : vector<16xi1>, vector<16xf32>
        %max3A_365 = arith.maximumf %max3A_348, %select_n3A_364 : vector<16xf32>
        %add3A_366 = arith.constant 240 : i32
        %add3A_367 = arith.addi %mul3A_114, %add3A_366 : i32
        %get3A_368 = arith.index_cast %shift_right_arithmetic3A_111 : i32 to index
        %get3A_369 = arith.index_cast %add3A_367 : i32 to index
        %get3A_370 = tpu.vector_load %arg8[%get3A_368, %get3A_369] {strides = array<i32>} : memref<32x512xi32, #tpu.memory_space<vmem>>, vector<1x16xi32>,
        %get3A_371 = vector.shape_cast %get3A_370 : vector<1x16xi32> to vector<16xi32>
        %add3A_372 = arith.constant 240 : i32
        %add3A_373 = arith.addi %mul3A_114, %add3A_372 : i32
        %get3A_374 = arith.index_cast %shift_right_arithmetic3A_111 : i32 to index
        %get3A_375 = arith.index_cast %add3A_373 : i32 to index
        %get3A_376 = tpu.vector_load %arg6[%get3A_374, %get3A_375] {strides = array<i32>} : memref<32x512xf32, #tpu.memory_space<vmem>>, vector<1x16xf32>,
        %get3A_377 = vector.shape_cast %get3A_376 : vector<1x16xf32> to vector<16xf32>
        %eq3A_378 = arith.cmpi eq, %get3A_371, %get3A_4 : vector<16xi32>
        %jit3A_379 = arith.constant -1.000000e+30 : f32
        %broadcast_in_dim3A_380 = vector.broadcast %jit3A_379 : f32 to vector<16xf32>
        %select_n3A_381 = arith.select %eq3A_378, %get3A_377, %broadcast_in_dim3A_380 : vector<16xi1>, vector<16xf32>
        %max3A_382 = arith.maximumf %max3A_365, %select_n3A_381 : vector<16xf32>
        scf.yield %max3A_382 : vector<16xf32>
      }
      %scan3A_71 = arith.constant 64 : i32
      %add3A_72 = arith.constant 2 : i32
      %add3A_73 = arith.addi %add3A_50, %add3A_72 : i32
      %lt3A = arith.constant 16 : i32
      %lt3A_74 = arith.cmpi slt, %add3A_73, %lt3A : i32
      %convert_element_type3A = arith.extui %lt3A_74 : i1 to i32
      %cond3A = arith.constant 0 : i32
      %cond3A_75 = arith.cmpi ne, %convert_element_type3A, %cond3A : i32
      scf.if %cond3A_75 {
        %add3A_109 = arith.constant 2 : i32
        %add3A_110 = arith.addi %add3A_50, %add3A_109 : i32
        %mul3A_111 = arith.constant 32 : i32
        %mul3A_112 = arith.muli %add3A_110, %mul3A_111 : i32
        %dma_start3A_113 = arith.constant 0 : i32
        %dma_start3A_114 = tpu.memref_slice %arg2[%add3A_2, %mul3A_112, %dma_start3A_113] : memref<64x512x512xf32, #tpu.memory_space<hbm>> -> memref<1x32x512xf32, #tpu.memory_space<hbm>>
        %dma_start3A_115 = tpu.memref_squeeze %dma_start3A_114 : memref<1x32x512xf32, #tpu.memory_space<hbm>> -> memref<32x512xf32, #tpu.memory_space<hbm>>
        %dma_start3A_116 = arith.constant 0 : i32
        %dma_start3A_117 = tpu.memref_slice %arg2[%add3A_2, %mul3A_112, %dma_start3A_116] : memref<64x512x512xf32, #tpu.memory_space<hbm>> -> memref<1x32x512xf32, #tpu.memory_space<hbm>>
        %dma_start3A_118 = tpu.memref_squeeze %dma_start3A_117 : memref<1x32x512xf32, #tpu.memory_space<hbm>> -> memref<32x512xf32, #tpu.memory_space<hbm>>
        tpu.enqueue_dma source(%dma_start3A_118 : memref<32x512xf32, #tpu.memory_space<hbm>>) target(%arg6 : memref<32x512xf32, #tpu.memory_space<vmem>>) target_semaphore(%arg12 : memref<!tpu.dma_semaphore, #tpu.memory_space<semaphore_mem>>)
        %mul3A_119 = arith.constant 32 : i32
        %mul3A_120 = arith.muli %add3A_110, %mul3A_119 : i32
        %dma_start3A_121 = arith.constant 0 : i32
        %dma_start3A_122 = tpu.memref_slice %arg3[%add3A_2, %mul3A_120, %dma_start3A_121] : memref<64x512x512xi32, #tpu.memory_space<hbm>> -> memref<1x32x512xi32, #tpu.memory_space<hbm>>
        %dma_start3A_123 = tpu.memref_squeeze %dma_start3A_122 : memref<1x32x512xi32, #tpu.memory_space<hbm>> -> memref<32x512xi32, #tpu.memory_space<hbm>>
        %dma_start3A_124 = arith.constant 0 : i32
        %dma_start3A_125 = tpu.memref_slice %arg3[%add3A_2, %mul3A_120, %dma_start3A_124] : memref<64x512x512xi32, #tpu.memory_space<hbm>> -> memref<1x32x512xi32, #tpu.memory_space<hbm>>
        %dma_start3A_126 = tpu.memref_squeeze %dma_start3A_125 : memref<1x32x512xi32, #tpu.memory_space<hbm>> -> memref<32x512xi32, #tpu.memory_space<hbm>>
        tpu.enqueue_dma source(%dma_start3A_126 : memref<32x512xi32, #tpu.memory_space<hbm>>) target(%arg8 : memref<32x512xi32, #tpu.memory_space<vmem>>) target_semaphore(%arg14 : memref<!tpu.dma_semaphore, #tpu.memory_space<semaphore_mem>>)
      } else {
      }
      %mul3A_76 = arith.constant 2 : i32
      %mul3A_77 = arith.muli %mul3A_76, %scan3A_45 : i32
      %add3A_78 = arith.constant 1 : i32
      %add3A_79 = arith.addi %mul3A_77, %add3A_78 : i32
      %mul3A_80 = arith.constant 32 : i32
      %mul3A_81 = arith.muli %add3A_79, %mul3A_80 : i32
      %dma_wait3A_82 = arith.constant 0 : i32
      %dma_wait3A_83 = tpu.memref_slice %arg2[%add3A_2, %mul3A_81, %dma_wait3A_82] : memref<64x512x512xf32, #tpu.memory_space<hbm>> -> memref<1x32x512xf32, #tpu.memory_space<hbm>>
      %dma_wait3A_84 = tpu.memref_squeeze %dma_wait3A_83 : memref<1x32x512xf32, #tpu.memory_space<hbm>> -> memref<32x512xf32, #tpu.memory_space<hbm>>
      %dma_wait3A_85 = arith.constant 0 : i32
      %dma_wait3A_86 = tpu.memref_slice %arg2[%add3A_2, %mul3A_81, %dma_wait3A_85] : memref<64x512x512xf32, #tpu.memory_space<hbm>> -> memref<1x32x512xf32, #tpu.memory_space<hbm>>
      %dma_wait3A_87 = tpu.memref_squeeze %dma_wait3A_86 : memref<1x32x512xf32, #tpu.memory_space<hbm>> -> memref<32x512xf32, #tpu.memory_space<hbm>>
      tpu.wait_dma2 semaphore(%arg13 : memref<!tpu.dma_semaphore, #tpu.memory_space<semaphore_mem>>) src(%dma_wait3A_87 : memref<32x512xf32, #tpu.memory_space<hbm>>) dst(%arg7 : memref<32x512xf32, #tpu.memory_space<vmem>>)
      %mul3A_88 = arith.constant 32 : i32
      %mul3A_89 = arith.muli %add3A_79, %mul3A_88 : i32
      %dma_wait3A_90 = arith.constant 0 : i32
      %dma_wait3A_91 = tpu.memref_slice %arg3[%add3A_2, %mul3A_89, %dma_wait3A_90] : memref<64x512x512xi32, #tpu.memory_space<hbm>> -> memref<1x32x512xi32, #tpu.memory_space<hbm>>
      %dma_wait3A_92 = tpu.memref_squeeze %dma_wait3A_91 : memref<1x32x512xi32, #tpu.memory_space<hbm>> -> memref<32x512xi32, #tpu.memory_space<hbm>>
      %dma_wait3A_93 = arith.constant 0 : i32
      %dma_wait3A_94 = tpu.memref_slice %arg3[%add3A_2, %mul3A_89, %dma_wait3A_93] : memref<64x512x512xi32, #tpu.memory_space<hbm>> -> memref<1x32x512xi32, #tpu.memory_space<hbm>>
      %dma_wait3A_95 = tpu.memref_squeeze %dma_wait3A_94 : memref<1x32x512xi32, #tpu.memory_space<hbm>> -> memref<32x512xi32, #tpu.memory_space<hbm>>
      tpu.wait_dma2 semaphore(%arg15 : memref<!tpu.dma_semaphore, #tpu.memory_space<semaphore_mem>>) src(%dma_wait3A_95 : memref<32x512xi32, #tpu.memory_space<hbm>>) dst(%arg9 : memref<32x512xi32, #tpu.memory_space<vmem>>)
      %scan3A_96 = arith.constant 0 : i32
      %scan3A_97 = arith.constant 64 : i32
      %scan3A_98 = arith.addi %scan3A_96, %scan3A_97 : i32
      %scan3A_99 = arith.constant 1 : i32
      %scan3A_100 = scf.for %scan3A_109 = %scan3A_96 to %scan3A_98 step %scan3A_99 iter_args(%scan3A_110 = %scan3A_70) -> (vector<16xf32>)  : i32 {
        %shift_right_arithmetic3A = arith.constant 1 : i32
        %shift_right_arithmetic3A_111 = arith.shrsi %scan3A_109, %shift_right_arithmetic3A : i32
        %and3A = arith.constant 1 : i32
        %and3A_112 = arith.andi %scan3A_109, %and3A : i32
        %mul3A_113 = arith.constant 256 : i32
        %mul3A_114 = arith.muli %and3A_112, %mul3A_113 : i32
        %add3A_115 = arith.constant 0 : i32
        %add3A_116 = arith.addi %mul3A_114, %add3A_115 : i32
        %get3A_117 = arith.index_cast %shift_right_arithmetic3A_111 : i32 to index
        %get3A_118 = arith.index_cast %add3A_116 : i32 to index
        %get3A_119 = tpu.vector_load %arg9[%get3A_117, %get3A_118] {strides = array<i32>} : memref<32x512xi32, #tpu.memory_space<vmem>>, vector<1x16xi32>,
        %get3A_120 = vector.shape_cast %get3A_119 : vector<1x16xi32> to vector<16xi32>
        %add3A_121 = arith.constant 0 : i32
        %add3A_122 = arith.addi %mul3A_114, %add3A_121 : i32
        %get3A_123 = arith.index_cast %shift_right_arithmetic3A_111 : i32 to index
        %get3A_124 = arith.index_cast %add3A_122 : i32 to index
        %get3A_125 = tpu.vector_load %arg7[%get3A_123, %get3A_124] {strides = array<i32>} : memref<32x512xf32, #tpu.memory_space<vmem>>, vector<1x16xf32>,
        %get3A_126 = vector.shape_cast %get3A_125 : vector<1x16xf32> to vector<16xf32>
        %eq3A = arith.cmpi eq, %get3A_120, %get3A_4 : vector<16xi32>
        %jit3A = arith.constant -1.000000e+30 : f32
        %broadcast_in_dim3A_127 = vector.broadcast %jit3A : f32 to vector<16xf32>
        %select_n3A = arith.select %eq3A, %get3A_126, %broadcast_in_dim3A_127 : vector<16xi1>, vector<16xf32>
        %max3A = arith.maximumf %scan3A_110, %select_n3A : vector<16xf32>
        %add3A_128 = arith.constant 16 : i32
        %add3A_129 = arith.addi %mul3A_114, %add3A_128 : i32
        %get3A_130 = arith.index_cast %shift_right_arithmetic3A_111 : i32 to index
        %get3A_131 = arith.index_cast %add3A_129 : i32 to index
        %get3A_132 = tpu.vector_load %arg9[%get3A_130, %get3A_131] {strides = array<i32>} : memref<32x512xi32, #tpu.memory_space<vmem>>, vector<1x16xi32>,
        %get3A_133 = vector.shape_cast %get3A_132 : vector<1x16xi32> to vector<16xi32>
        %add3A_134 = arith.constant 16 : i32
        %add3A_135 = arith.addi %mul3A_114, %add3A_134 : i32
        %get3A_136 = arith.index_cast %shift_right_arithmetic3A_111 : i32 to index
        %get3A_137 = arith.index_cast %add3A_135 : i32 to index
        %get3A_138 = tpu.vector_load %arg7[%get3A_136, %get3A_137] {strides = array<i32>} : memref<32x512xf32, #tpu.memory_space<vmem>>, vector<1x16xf32>,
        %get3A_139 = vector.shape_cast %get3A_138 : vector<1x16xf32> to vector<16xf32>
        %eq3A_140 = arith.cmpi eq, %get3A_133, %get3A_4 : vector<16xi32>
        %jit3A_141 = arith.constant -1.000000e+30 : f32
        %broadcast_in_dim3A_142 = vector.broadcast %jit3A_141 : f32 to vector<16xf32>
        %select_n3A_143 = arith.select %eq3A_140, %get3A_139, %broadcast_in_dim3A_142 : vector<16xi1>, vector<16xf32>
        %max3A_144 = arith.maximumf %max3A, %select_n3A_143 : vector<16xf32>
        %add3A_145 = arith.constant 32 : i32
        %add3A_146 = arith.addi %mul3A_114, %add3A_145 : i32
        %get3A_147 = arith.index_cast %shift_right_arithmetic3A_111 : i32 to index
        %get3A_148 = arith.index_cast %add3A_146 : i32 to index
        %get3A_149 = tpu.vector_load %arg9[%get3A_147, %get3A_148] {strides = array<i32>} : memref<32x512xi32, #tpu.memory_space<vmem>>, vector<1x16xi32>,
        %get3A_150 = vector.shape_cast %get3A_149 : vector<1x16xi32> to vector<16xi32>
        %add3A_151 = arith.constant 32 : i32
        %add3A_152 = arith.addi %mul3A_114, %add3A_151 : i32
        %get3A_153 = arith.index_cast %shift_right_arithmetic3A_111 : i32 to index
        %get3A_154 = arith.index_cast %add3A_152 : i32 to index
        %get3A_155 = tpu.vector_load %arg7[%get3A_153, %get3A_154] {strides = array<i32>} : memref<32x512xf32, #tpu.memory_space<vmem>>, vector<1x16xf32>,
        %get3A_156 = vector.shape_cast %get3A_155 : vector<1x16xf32> to vector<16xf32>
        %eq3A_157 = arith.cmpi eq, %get3A_150, %get3A_4 : vector<16xi32>
        %jit3A_158 = arith.constant -1.000000e+30 : f32
        %broadcast_in_dim3A_159 = vector.broadcast %jit3A_158 : f32 to vector<16xf32>
        %select_n3A_160 = arith.select %eq3A_157, %get3A_156, %broadcast_in_dim3A_159 : vector<16xi1>, vector<16xf32>
        %max3A_161 = arith.maximumf %max3A_144, %select_n3A_160 : vector<16xf32>
        %add3A_162 = arith.constant 48 : i32
        %add3A_163 = arith.addi %mul3A_114, %add3A_162 : i32
        %get3A_164 = arith.index_cast %shift_right_arithmetic3A_111 : i32 to index
        %get3A_165 = arith.index_cast %add3A_163 : i32 to index
        %get3A_166 = tpu.vector_load %arg9[%get3A_164, %get3A_165] {strides = array<i32>} : memref<32x512xi32, #tpu.memory_space<vmem>>, vector<1x16xi32>,
        %get3A_167 = vector.shape_cast %get3A_166 : vector<1x16xi32> to vector<16xi32>
        %add3A_168 = arith.constant 48 : i32
        %add3A_169 = arith.addi %mul3A_114, %add3A_168 : i32
        %get3A_170 = arith.index_cast %shift_right_arithmetic3A_111 : i32 to index
        %get3A_171 = arith.index_cast %add3A_169 : i32 to index
        %get3A_172 = tpu.vector_load %arg7[%get3A_170, %get3A_171] {strides = array<i32>} : memref<32x512xf32, #tpu.memory_space<vmem>>, vector<1x16xf32>,
        %get3A_173 = vector.shape_cast %get3A_172 : vector<1x16xf32> to vector<16xf32>
        %eq3A_174 = arith.cmpi eq, %get3A_167, %get3A_4 : vector<16xi32>
        %jit3A_175 = arith.constant -1.000000e+30 : f32
        %broadcast_in_dim3A_176 = vector.broadcast %jit3A_175 : f32 to vector<16xf32>
        %select_n3A_177 = arith.select %eq3A_174, %get3A_173, %broadcast_in_dim3A_176 : vector<16xi1>, vector<16xf32>
        %max3A_178 = arith.maximumf %max3A_161, %select_n3A_177 : vector<16xf32>
        %add3A_179 = arith.constant 64 : i32
        %add3A_180 = arith.addi %mul3A_114, %add3A_179 : i32
        %get3A_181 = arith.index_cast %shift_right_arithmetic3A_111 : i32 to index
        %get3A_182 = arith.index_cast %add3A_180 : i32 to index
        %get3A_183 = tpu.vector_load %arg9[%get3A_181, %get3A_182] {strides = array<i32>} : memref<32x512xi32, #tpu.memory_space<vmem>>, vector<1x16xi32>,
        %get3A_184 = vector.shape_cast %get3A_183 : vector<1x16xi32> to vector<16xi32>
        %add3A_185 = arith.constant 64 : i32
        %add3A_186 = arith.addi %mul3A_114, %add3A_185 : i32
        %get3A_187 = arith.index_cast %shift_right_arithmetic3A_111 : i32 to index
        %get3A_188 = arith.index_cast %add3A_186 : i32 to index
        %get3A_189 = tpu.vector_load %arg7[%get3A_187, %get3A_188] {strides = array<i32>} : memref<32x512xf32, #tpu.memory_space<vmem>>, vector<1x16xf32>,
        %get3A_190 = vector.shape_cast %get3A_189 : vector<1x16xf32> to vector<16xf32>
        %eq3A_191 = arith.cmpi eq, %get3A_184, %get3A_4 : vector<16xi32>
        %jit3A_192 = arith.constant -1.000000e+30 : f32
        %broadcast_in_dim3A_193 = vector.broadcast %jit3A_192 : f32 to vector<16xf32>
        %select_n3A_194 = arith.select %eq3A_191, %get3A_190, %broadcast_in_dim3A_193 : vector<16xi1>, vector<16xf32>
        %max3A_195 = arith.maximumf %max3A_178, %select_n3A_194 : vector<16xf32>
        %add3A_196 = arith.constant 80 : i32
        %add3A_197 = arith.addi %mul3A_114, %add3A_196 : i32
        %get3A_198 = arith.index_cast %shift_right_arithmetic3A_111 : i32 to index
        %get3A_199 = arith.index_cast %add3A_197 : i32 to index
        %get3A_200 = tpu.vector_load %arg9[%get3A_198, %get3A_199] {strides = array<i32>} : memref<32x512xi32, #tpu.memory_space<vmem>>, vector<1x16xi32>,
        %get3A_201 = vector.shape_cast %get3A_200 : vector<1x16xi32> to vector<16xi32>
        %add3A_202 = arith.constant 80 : i32
        %add3A_203 = arith.addi %mul3A_114, %add3A_202 : i32
        %get3A_204 = arith.index_cast %shift_right_arithmetic3A_111 : i32 to index
        %get3A_205 = arith.index_cast %add3A_203 : i32 to index
        %get3A_206 = tpu.vector_load %arg7[%get3A_204, %get3A_205] {strides = array<i32>} : memref<32x512xf32, #tpu.memory_space<vmem>>, vector<1x16xf32>,
        %get3A_207 = vector.shape_cast %get3A_206 : vector<1x16xf32> to vector<16xf32>
        %eq3A_208 = arith.cmpi eq, %get3A_201, %get3A_4 : vector<16xi32>
        %jit3A_209 = arith.constant -1.000000e+30 : f32
        %broadcast_in_dim3A_210 = vector.broadcast %jit3A_209 : f32 to vector<16xf32>
        %select_n3A_211 = arith.select %eq3A_208, %get3A_207, %broadcast_in_dim3A_210 : vector<16xi1>, vector<16xf32>
        %max3A_212 = arith.maximumf %max3A_195, %select_n3A_211 : vector<16xf32>
        %add3A_213 = arith.constant 96 : i32
        %add3A_214 = arith.addi %mul3A_114, %add3A_213 : i32
        %get3A_215 = arith.index_cast %shift_right_arithmetic3A_111 : i32 to index
        %get3A_216 = arith.index_cast %add3A_214 : i32 to index
        %get3A_217 = tpu.vector_load %arg9[%get3A_215, %get3A_216] {strides = array<i32>} : memref<32x512xi32, #tpu.memory_space<vmem>>, vector<1x16xi32>,
        %get3A_218 = vector.shape_cast %get3A_217 : vector<1x16xi32> to vector<16xi32>
        %add3A_219 = arith.constant 96 : i32
        %add3A_220 = arith.addi %mul3A_114, %add3A_219 : i32
        %get3A_221 = arith.index_cast %shift_right_arithmetic3A_111 : i32 to index
        %get3A_222 = arith.index_cast %add3A_220 : i32 to index
        %get3A_223 = tpu.vector_load %arg7[%get3A_221, %get3A_222] {strides = array<i32>} : memref<32x512xf32, #tpu.memory_space<vmem>>, vector<1x16xf32>,
        %get3A_224 = vector.shape_cast %get3A_223 : vector<1x16xf32> to vector<16xf32>
        %eq3A_225 = arith.cmpi eq, %get3A_218, %get3A_4 : vector<16xi32>
        %jit3A_226 = arith.constant -1.000000e+30 : f32
        %broadcast_in_dim3A_227 = vector.broadcast %jit3A_226 : f32 to vector<16xf32>
        %select_n3A_228 = arith.select %eq3A_225, %get3A_224, %broadcast_in_dim3A_227 : vector<16xi1>, vector<16xf32>
        %max3A_229 = arith.maximumf %max3A_212, %select_n3A_228 : vector<16xf32>
        %add3A_230 = arith.constant 112 : i32
        %add3A_231 = arith.addi %mul3A_114, %add3A_230 : i32
        %get3A_232 = arith.index_cast %shift_right_arithmetic3A_111 : i32 to index
        %get3A_233 = arith.index_cast %add3A_231 : i32 to index
        %get3A_234 = tpu.vector_load %arg9[%get3A_232, %get3A_233] {strides = array<i32>} : memref<32x512xi32, #tpu.memory_space<vmem>>, vector<1x16xi32>,
        %get3A_235 = vector.shape_cast %get3A_234 : vector<1x16xi32> to vector<16xi32>
        %add3A_236 = arith.constant 112 : i32
        %add3A_237 = arith.addi %mul3A_114, %add3A_236 : i32
        %get3A_238 = arith.index_cast %shift_right_arithmetic3A_111 : i32 to index
        %get3A_239 = arith.index_cast %add3A_237 : i32 to index
        %get3A_240 = tpu.vector_load %arg7[%get3A_238, %get3A_239] {strides = array<i32>} : memref<32x512xf32, #tpu.memory_space<vmem>>, vector<1x16xf32>,
        %get3A_241 = vector.shape_cast %get3A_240 : vector<1x16xf32> to vector<16xf32>
        %eq3A_242 = arith.cmpi eq, %get3A_235, %get3A_4 : vector<16xi32>
        %jit3A_243 = arith.constant -1.000000e+30 : f32
        %broadcast_in_dim3A_244 = vector.broadcast %jit3A_243 : f32 to vector<16xf32>
        %select_n3A_245 = arith.select %eq3A_242, %get3A_241, %broadcast_in_dim3A_244 : vector<16xi1>, vector<16xf32>
        %max3A_246 = arith.maximumf %max3A_229, %select_n3A_245 : vector<16xf32>
        %add3A_247 = arith.constant 128 : i32
        %add3A_248 = arith.addi %mul3A_114, %add3A_247 : i32
        %get3A_249 = arith.index_cast %shift_right_arithmetic3A_111 : i32 to index
        %get3A_250 = arith.index_cast %add3A_248 : i32 to index
        %get3A_251 = tpu.vector_load %arg9[%get3A_249, %get3A_250] {strides = array<i32>} : memref<32x512xi32, #tpu.memory_space<vmem>>, vector<1x16xi32>,
        %get3A_252 = vector.shape_cast %get3A_251 : vector<1x16xi32> to vector<16xi32>
        %add3A_253 = arith.constant 128 : i32
        %add3A_254 = arith.addi %mul3A_114, %add3A_253 : i32
        %get3A_255 = arith.index_cast %shift_right_arithmetic3A_111 : i32 to index
        %get3A_256 = arith.index_cast %add3A_254 : i32 to index
        %get3A_257 = tpu.vector_load %arg7[%get3A_255, %get3A_256] {strides = array<i32>} : memref<32x512xf32, #tpu.memory_space<vmem>>, vector<1x16xf32>,
        %get3A_258 = vector.shape_cast %get3A_257 : vector<1x16xf32> to vector<16xf32>
        %eq3A_259 = arith.cmpi eq, %get3A_252, %get3A_4 : vector<16xi32>
        %jit3A_260 = arith.constant -1.000000e+30 : f32
        %broadcast_in_dim3A_261 = vector.broadcast %jit3A_260 : f32 to vector<16xf32>
        %select_n3A_262 = arith.select %eq3A_259, %get3A_258, %broadcast_in_dim3A_261 : vector<16xi1>, vector<16xf32>
        %max3A_263 = arith.maximumf %max3A_246, %select_n3A_262 : vector<16xf32>
        %add3A_264 = arith.constant 144 : i32
        %add3A_265 = arith.addi %mul3A_114, %add3A_264 : i32
        %get3A_266 = arith.index_cast %shift_right_arithmetic3A_111 : i32 to index
        %get3A_267 = arith.index_cast %add3A_265 : i32 to index
        %get3A_268 = tpu.vector_load %arg9[%get3A_266, %get3A_267] {strides = array<i32>} : memref<32x512xi32, #tpu.memory_space<vmem>>, vector<1x16xi32>,
        %get3A_269 = vector.shape_cast %get3A_268 : vector<1x16xi32> to vector<16xi32>
        %add3A_270 = arith.constant 144 : i32
        %add3A_271 = arith.addi %mul3A_114, %add3A_270 : i32
        %get3A_272 = arith.index_cast %shift_right_arithmetic3A_111 : i32 to index
        %get3A_273 = arith.index_cast %add3A_271 : i32 to index
        %get3A_274 = tpu.vector_load %arg7[%get3A_272, %get3A_273] {strides = array<i32>} : memref<32x512xf32, #tpu.memory_space<vmem>>, vector<1x16xf32>,
        %get3A_275 = vector.shape_cast %get3A_274 : vector<1x16xf32> to vector<16xf32>
        %eq3A_276 = arith.cmpi eq, %get3A_269, %get3A_4 : vector<16xi32>
        %jit3A_277 = arith.constant -1.000000e+30 : f32
        %broadcast_in_dim3A_278 = vector.broadcast %jit3A_277 : f32 to vector<16xf32>
        %select_n3A_279 = arith.select %eq3A_276, %get3A_275, %broadcast_in_dim3A_278 : vector<16xi1>, vector<16xf32>
        %max3A_280 = arith.maximumf %max3A_263, %select_n3A_279 : vector<16xf32>
        %add3A_281 = arith.constant 160 : i32
        %add3A_282 = arith.addi %mul3A_114, %add3A_281 : i32
        %get3A_283 = arith.index_cast %shift_right_arithmetic3A_111 : i32 to index
        %get3A_284 = arith.index_cast %add3A_282 : i32 to index
        %get3A_285 = tpu.vector_load %arg9[%get3A_283, %get3A_284] {strides = array<i32>} : memref<32x512xi32, #tpu.memory_space<vmem>>, vector<1x16xi32>,
        %get3A_286 = vector.shape_cast %get3A_285 : vector<1x16xi32> to vector<16xi32>
        %add3A_287 = arith.constant 160 : i32
        %add3A_288 = arith.addi %mul3A_114, %add3A_287 : i32
        %get3A_289 = arith.index_cast %shift_right_arithmetic3A_111 : i32 to index
        %get3A_290 = arith.index_cast %add3A_288 : i32 to index
        %get3A_291 = tpu.vector_load %arg7[%get3A_289, %get3A_290] {strides = array<i32>} : memref<32x512xf32, #tpu.memory_space<vmem>>, vector<1x16xf32>,
        %get3A_292 = vector.shape_cast %get3A_291 : vector<1x16xf32> to vector<16xf32>
        %eq3A_293 = arith.cmpi eq, %get3A_286, %get3A_4 : vector<16xi32>
        %jit3A_294 = arith.constant -1.000000e+30 : f32
        %broadcast_in_dim3A_295 = vector.broadcast %jit3A_294 : f32 to vector<16xf32>
        %select_n3A_296 = arith.select %eq3A_293, %get3A_292, %broadcast_in_dim3A_295 : vector<16xi1>, vector<16xf32>
        %max3A_297 = arith.maximumf %max3A_280, %select_n3A_296 : vector<16xf32>
        %add3A_298 = arith.constant 176 : i32
        %add3A_299 = arith.addi %mul3A_114, %add3A_298 : i32
        %get3A_300 = arith.index_cast %shift_right_arithmetic3A_111 : i32 to index
        %get3A_301 = arith.index_cast %add3A_299 : i32 to index
        %get3A_302 = tpu.vector_load %arg9[%get3A_300, %get3A_301] {strides = array<i32>} : memref<32x512xi32, #tpu.memory_space<vmem>>, vector<1x16xi32>,
        %get3A_303 = vector.shape_cast %get3A_302 : vector<1x16xi32> to vector<16xi32>
        %add3A_304 = arith.constant 176 : i32
        %add3A_305 = arith.addi %mul3A_114, %add3A_304 : i32
        %get3A_306 = arith.index_cast %shift_right_arithmetic3A_111 : i32 to index
        %get3A_307 = arith.index_cast %add3A_305 : i32 to index
        %get3A_308 = tpu.vector_load %arg7[%get3A_306, %get3A_307] {strides = array<i32>} : memref<32x512xf32, #tpu.memory_space<vmem>>, vector<1x16xf32>,
        %get3A_309 = vector.shape_cast %get3A_308 : vector<1x16xf32> to vector<16xf32>
        %eq3A_310 = arith.cmpi eq, %get3A_303, %get3A_4 : vector<16xi32>
        %jit3A_311 = arith.constant -1.000000e+30 : f32
        %broadcast_in_dim3A_312 = vector.broadcast %jit3A_311 : f32 to vector<16xf32>
        %select_n3A_313 = arith.select %eq3A_310, %get3A_309, %broadcast_in_dim3A_312 : vector<16xi1>, vector<16xf32>
        %max3A_314 = arith.maximumf %max3A_297, %select_n3A_313 : vector<16xf32>
        %add3A_315 = arith.constant 192 : i32
        %add3A_316 = arith.addi %mul3A_114, %add3A_315 : i32
        %get3A_317 = arith.index_cast %shift_right_arithmetic3A_111 : i32 to index
        %get3A_318 = arith.index_cast %add3A_316 : i32 to index
        %get3A_319 = tpu.vector_load %arg9[%get3A_317, %get3A_318] {strides = array<i32>} : memref<32x512xi32, #tpu.memory_space<vmem>>, vector<1x16xi32>,
        %get3A_320 = vector.shape_cast %get3A_319 : vector<1x16xi32> to vector<16xi32>
        %add3A_321 = arith.constant 192 : i32
        %add3A_322 = arith.addi %mul3A_114, %add3A_321 : i32
        %get3A_323 = arith.index_cast %shift_right_arithmetic3A_111 : i32 to index
        %get3A_324 = arith.index_cast %add3A_322 : i32 to index
        %get3A_325 = tpu.vector_load %arg7[%get3A_323, %get3A_324] {strides = array<i32>} : memref<32x512xf32, #tpu.memory_space<vmem>>, vector<1x16xf32>,
        %get3A_326 = vector.shape_cast %get3A_325 : vector<1x16xf32> to vector<16xf32>
        %eq3A_327 = arith.cmpi eq, %get3A_320, %get3A_4 : vector<16xi32>
        %jit3A_328 = arith.constant -1.000000e+30 : f32
        %broadcast_in_dim3A_329 = vector.broadcast %jit3A_328 : f32 to vector<16xf32>
        %select_n3A_330 = arith.select %eq3A_327, %get3A_326, %broadcast_in_dim3A_329 : vector<16xi1>, vector<16xf32>
        %max3A_331 = arith.maximumf %max3A_314, %select_n3A_330 : vector<16xf32>
        %add3A_332 = arith.constant 208 : i32
        %add3A_333 = arith.addi %mul3A_114, %add3A_332 : i32
        %get3A_334 = arith.index_cast %shift_right_arithmetic3A_111 : i32 to index
        %get3A_335 = arith.index_cast %add3A_333 : i32 to index
        %get3A_336 = tpu.vector_load %arg9[%get3A_334, %get3A_335] {strides = array<i32>} : memref<32x512xi32, #tpu.memory_space<vmem>>, vector<1x16xi32>,
        %get3A_337 = vector.shape_cast %get3A_336 : vector<1x16xi32> to vector<16xi32>
        %add3A_338 = arith.constant 208 : i32
        %add3A_339 = arith.addi %mul3A_114, %add3A_338 : i32
        %get3A_340 = arith.index_cast %shift_right_arithmetic3A_111 : i32 to index
        %get3A_341 = arith.index_cast %add3A_339 : i32 to index
        %get3A_342 = tpu.vector_load %arg7[%get3A_340, %get3A_341] {strides = array<i32>} : memref<32x512xf32, #tpu.memory_space<vmem>>, vector<1x16xf32>,
        %get3A_343 = vector.shape_cast %get3A_342 : vector<1x16xf32> to vector<16xf32>
        %eq3A_344 = arith.cmpi eq, %get3A_337, %get3A_4 : vector<16xi32>
        %jit3A_345 = arith.constant -1.000000e+30 : f32
        %broadcast_in_dim3A_346 = vector.broadcast %jit3A_345 : f32 to vector<16xf32>
        %select_n3A_347 = arith.select %eq3A_344, %get3A_343, %broadcast_in_dim3A_346 : vector<16xi1>, vector<16xf32>
        %max3A_348 = arith.maximumf %max3A_331, %select_n3A_347 : vector<16xf32>
        %add3A_349 = arith.constant 224 : i32
        %add3A_350 = arith.addi %mul3A_114, %add3A_349 : i32
        %get3A_351 = arith.index_cast %shift_right_arithmetic3A_111 : i32 to index
        %get3A_352 = arith.index_cast %add3A_350 : i32 to index
        %get3A_353 = tpu.vector_load %arg9[%get3A_351, %get3A_352] {strides = array<i32>} : memref<32x512xi32, #tpu.memory_space<vmem>>, vector<1x16xi32>,
        %get3A_354 = vector.shape_cast %get3A_353 : vector<1x16xi32> to vector<16xi32>
        %add3A_355 = arith.constant 224 : i32
        %add3A_356 = arith.addi %mul3A_114, %add3A_355 : i32
        %get3A_357 = arith.index_cast %shift_right_arithmetic3A_111 : i32 to index
        %get3A_358 = arith.index_cast %add3A_356 : i32 to index
        %get3A_359 = tpu.vector_load %arg7[%get3A_357, %get3A_358] {strides = array<i32>} : memref<32x512xf32, #tpu.memory_space<vmem>>, vector<1x16xf32>,
        %get3A_360 = vector.shape_cast %get3A_359 : vector<1x16xf32> to vector<16xf32>
        %eq3A_361 = arith.cmpi eq, %get3A_354, %get3A_4 : vector<16xi32>
        %jit3A_362 = arith.constant -1.000000e+30 : f32
        %broadcast_in_dim3A_363 = vector.broadcast %jit3A_362 : f32 to vector<16xf32>
        %select_n3A_364 = arith.select %eq3A_361, %get3A_360, %broadcast_in_dim3A_363 : vector<16xi1>, vector<16xf32>
        %max3A_365 = arith.maximumf %max3A_348, %select_n3A_364 : vector<16xf32>
        %add3A_366 = arith.constant 240 : i32
        %add3A_367 = arith.addi %mul3A_114, %add3A_366 : i32
        %get3A_368 = arith.index_cast %shift_right_arithmetic3A_111 : i32 to index
        %get3A_369 = arith.index_cast %add3A_367 : i32 to index
        %get3A_370 = tpu.vector_load %arg9[%get3A_368, %get3A_369] {strides = array<i32>} : memref<32x512xi32, #tpu.memory_space<vmem>>, vector<1x16xi32>,
        %get3A_371 = vector.shape_cast %get3A_370 : vector<1x16xi32> to vector<16xi32>
        %add3A_372 = arith.constant 240 : i32
        %add3A_373 = arith.addi %mul3A_114, %add3A_372 : i32
        %get3A_374 = arith.index_cast %shift_right_arithmetic3A_111 : i32 to index
        %get3A_375 = arith.index_cast %add3A_373 : i32 to index
        %get3A_376 = tpu.vector_load %arg7[%get3A_374, %get3A_375] {strides = array<i32>} : memref<32x512xf32, #tpu.memory_space<vmem>>, vector<1x16xf32>,
        %get3A_377 = vector.shape_cast %get3A_376 : vector<1x16xf32> to vector<16xf32>
        %eq3A_378 = arith.cmpi eq, %get3A_371, %get3A_4 : vector<16xi32>
        %jit3A_379 = arith.constant -1.000000e+30 : f32
        %broadcast_in_dim3A_380 = vector.broadcast %jit3A_379 : f32 to vector<16xf32>
        %select_n3A_381 = arith.select %eq3A_378, %get3A_377, %broadcast_in_dim3A_380 : vector<16xi1>, vector<16xf32>
        %max3A_382 = arith.maximumf %max3A_365, %select_n3A_381 : vector<16xf32>
        scf.yield %max3A_382 : vector<16xf32>
      }
      %scan3A_101 = arith.constant 64 : i32
      %add3A_102 = arith.constant 2 : i32
      %add3A_103 = arith.addi %add3A_79, %add3A_102 : i32
      %lt3A_104 = arith.constant 16 : i32
      %lt3A_105 = arith.cmpi slt, %add3A_103, %lt3A_104 : i32
      %convert_element_type3A_106 = arith.extui %lt3A_105 : i1 to i32
      %cond3A_107 = arith.constant 0 : i32
      %cond3A_108 = arith.cmpi ne, %convert_element_type3A_106, %cond3A_107 : i32
      scf.if %cond3A_108 {
        %add3A_109 = arith.constant 2 : i32
        %add3A_110 = arith.addi %add3A_79, %add3A_109 : i32
        %mul3A_111 = arith.constant 32 : i32
        %mul3A_112 = arith.muli %add3A_110, %mul3A_111 : i32
        %dma_start3A_113 = arith.constant 0 : i32
        %dma_start3A_114 = tpu.memref_slice %arg2[%add3A_2, %mul3A_112, %dma_start3A_113] : memref<64x512x512xf32, #tpu.memory_space<hbm>> -> memref<1x32x512xf32, #tpu.memory_space<hbm>>
        %dma_start3A_115 = tpu.memref_squeeze %dma_start3A_114 : memref<1x32x512xf32, #tpu.memory_space<hbm>> -> memref<32x512xf32, #tpu.memory_space<hbm>>
        %dma_start3A_116 = arith.constant 0 : i32
        %dma_start3A_117 = tpu.memref_slice %arg2[%add3A_2, %mul3A_112, %dma_start3A_116] : memref<64x512x512xf32, #tpu.memory_space<hbm>> -> memref<1x32x512xf32, #tpu.memory_space<hbm>>
        %dma_start3A_118 = tpu.memref_squeeze %dma_start3A_117 : memref<1x32x512xf32, #tpu.memory_space<hbm>> -> memref<32x512xf32, #tpu.memory_space<hbm>>
        tpu.enqueue_dma source(%dma_start3A_118 : memref<32x512xf32, #tpu.memory_space<hbm>>) target(%arg7 : memref<32x512xf32, #tpu.memory_space<vmem>>) target_semaphore(%arg13 : memref<!tpu.dma_semaphore, #tpu.memory_space<semaphore_mem>>)
        %mul3A_119 = arith.constant 32 : i32
        %mul3A_120 = arith.muli %add3A_110, %mul3A_119 : i32
        %dma_start3A_121 = arith.constant 0 : i32
        %dma_start3A_122 = tpu.memref_slice %arg3[%add3A_2, %mul3A_120, %dma_start3A_121] : memref<64x512x512xi32, #tpu.memory_space<hbm>> -> memref<1x32x512xi32, #tpu.memory_space<hbm>>
        %dma_start3A_123 = tpu.memref_squeeze %dma_start3A_122 : memref<1x32x512xi32, #tpu.memory_space<hbm>> -> memref<32x512xi32, #tpu.memory_space<hbm>>
        %dma_start3A_124 = arith.constant 0 : i32
        %dma_start3A_125 = tpu.memref_slice %arg3[%add3A_2, %mul3A_120, %dma_start3A_124] : memref<64x512x512xi32, #tpu.memory_space<hbm>> -> memref<1x32x512xi32, #tpu.memory_space<hbm>>
        %dma_start3A_126 = tpu.memref_squeeze %dma_start3A_125 : memref<1x32x512xi32, #tpu.memory_space<hbm>> -> memref<32x512xi32, #tpu.memory_space<hbm>>
        tpu.enqueue_dma source(%dma_start3A_126 : memref<32x512xi32, #tpu.memory_space<hbm>>) target(%arg9 : memref<32x512xi32, #tpu.memory_space<vmem>>) target_semaphore(%arg15 : memref<!tpu.dma_semaphore, #tpu.memory_space<semaphore_mem>>)
      } else {
      }
      scf.yield %scan3A_100 : vector<16xf32>
    }
    %scan3A_41 = arith.constant 8 : i32
    %swap3A = arith.constant 0 : index
    %swap3A_42 = tpu.vector_load %arg11[%swap3A] {strides = array<i32>} : memref<16xf32, #tpu.memory_space<vmem>>, vector<16xf32>,
    %swap3A_43 = vector.shape_cast %swap3A_42 : vector<16xf32> to vector<16xf32>
    %swap3A_44 = vector.shape_cast %scan3A_40 : vector<16xf32> to vector<16xf32>
    tpu.vector_store %arg11[%swap3A], %swap3A_44 {strides = array<i32>} : memref<16xf32, #tpu.memory_space<vmem>>, vector<16xf32>,
    "tpu.region"() ({
      %run_scoped3A = tpu.sem_alloc : memref<!tpu.dma_semaphore, #tpu.memory_space<semaphore_mem>>
      %dma_start3A_45 = arith.constant 0 : i32
      %dma_start3A_46 = tpu.memref_slice %arg5[%add3A, %dma_start3A_45] : memref<32x16xf32, #tpu.memory_space<hbm>> -> memref<1x16xf32, #tpu.memory_space<hbm>>
      %dma_start3A_47 = tpu.memref_squeeze %dma_start3A_46 : memref<1x16xf32, #tpu.memory_space<hbm>> -> memref<16xf32, #tpu.memory_space<hbm>>
      %dma_start3A_48 = arith.constant 0 : i32
      %dma_start3A_49 = tpu.memref_slice %arg5[%add3A, %dma_start3A_48] : memref<32x16xf32, #tpu.memory_space<hbm>> -> memref<1x16xf32, #tpu.memory_space<hbm>>
      %dma_start3A_50 = tpu.memref_squeeze %dma_start3A_49 : memref<1x16xf32, #tpu.memory_space<hbm>> -> memref<16xf32, #tpu.memory_space<hbm>>
      tpu.enqueue_dma source(%arg11 : memref<16xf32, #tpu.memory_space<vmem>>) target(%dma_start3A_50 : memref<16xf32, #tpu.memory_space<hbm>>) target_semaphore(%run_scoped3A : memref<!tpu.dma_semaphore, #tpu.memory_space<semaphore_mem>>)
      %dma_wait3A = arith.constant 0 : i32
      %dma_wait3A_51 = tpu.memref_slice %arg5[%add3A, %dma_wait3A] : memref<32x16xf32, #tpu.memory_space<hbm>> -> memref<1x16xf32, #tpu.memory_space<hbm>>
      %dma_wait3A_52 = tpu.memref_squeeze %dma_wait3A_51 : memref<1x16xf32, #tpu.memory_space<hbm>> -> memref<16xf32, #tpu.memory_space<hbm>>
      %dma_wait3A_53 = arith.constant 0 : i32
      %dma_wait3A_54 = tpu.memref_slice %arg5[%add3A, %dma_wait3A_53] : memref<32x16xf32, #tpu.memory_space<hbm>> -> memref<1x16xf32, #tpu.memory_space<hbm>>
      %dma_wait3A_55 = tpu.memref_squeeze %dma_wait3A_54 : memref<1x16xf32, #tpu.memory_space<hbm>> -> memref<16xf32, #tpu.memory_space<hbm>>
      tpu.wait_dma2 semaphore(%run_scoped3A : memref<!tpu.dma_semaphore, #tpu.memory_space<semaphore_mem>>) src(%arg11 : memref<16xf32, #tpu.memory_space<vmem>>) dst(%dma_wait3A_55 : memref<16xf32, #tpu.memory_space<hbm>>)
      tpu.yield
    }) : () -> ()
    return
  }
}

module attributes {stable_mosaic.version = 14 : i64} {
  func.func @_loss_body(%arg0: memref<32x1x1xf32, #tpu.memory_space<vmem>>, %arg1: memref<32x16xf32, #tpu.memory_space<vmem>>, %arg2: memref<64xf32, #tpu.memory_space<vmem>>, %arg3: memref<1x1xf32, #tpu.memory_space<smem>>) attributes {dimension_semantics = [], scalar_prefetch = 0 : i64, scratch_operands = 0 : i64, tpu.core_type = #tpu.core_type<tc>} {
    %get3A = arith.constant 0 : index
    %get3A_0 = arith.constant 0 : index
    %get3A_1 = arith.constant 0 : index
    %get3A_2 = vector.load %arg0[%get3A, %get3A_0, %get3A_1] : memref<32x1x1xf32, #tpu.memory_space<vmem>>, vector<32x1x1xf32>
    %squeeze3A = vector.shape_cast %get3A_2 : vector<32x1x1xf32> to vector<32xf32>
    %get3A_3 = arith.constant 0 : index
    %get3A_4 = arith.constant 0 : index
    %get3A_5 = vector.load %arg1[%get3A_3, %get3A_4] : memref<32x16xf32, #tpu.memory_space<vmem>>, vector<32x16xf32>
    %reduce_max3A = arith.constant dense<0xFF800000> : vector<32xf32>
    %reduce_max3A_6 = vector.multi_reduction <maximumf>, %get3A_5, %reduce_max3A [1] : vector<32x16xf32> to vector<32xf32>
    %concatenate3A = tpu.concatenate %squeeze3A, %reduce_max3A_6 in 0 : vector<32xf32>, vector<32xf32> -> vector<64xf32>
    %gt3A = arith.constant -1.000000e+29 : f32
    %gt3A_7 = vector.broadcast %gt3A : f32 to vector<64xf32>
    %gt3A_8 = arith.cmpf ogt, %concatenate3A, %gt3A_7 : vector<64xf32>
    %jit3A = arith.constant 0.000000e+00 : f32
    %broadcast_in_dim3A = vector.broadcast %jit3A : f32 to vector<64xf32>
    %select_n3A = arith.select %gt3A_8, %concatenate3A, %broadcast_in_dim3A : vector<64xi1>, vector<64xf32>
    %get3A_9 = arith.constant 0 : index
    %get3A_10 = vector.load %arg2[%get3A_9] : memref<64xf32, #tpu.memory_space<vmem>>, vector<64xf32>
    %max3A = arith.constant 0.000000e+00 : f32
    %max3A_11 = vector.broadcast %max3A : f32 to vector<64xf32>
    %max3A_12 = arith.maximumf %select_n3A, %max3A_11 : vector<64xf32>
    %mul3A = arith.mulf %select_n3A, %get3A_10 : vector<64xf32>
    %sub3A = arith.subf %max3A_12, %mul3A : vector<64xf32>
    %abs3A = math.absf %select_n3A : vector<64xf32>
    %neg3A = arith.constant 0.000000e+00 : f32
    %neg3A_13 = vector.broadcast %neg3A : f32 to vector<64xf32>
    %neg3A_14 = arith.subf %neg3A_13, %abs3A : vector<64xf32>
    %exp3A = math.exp %neg3A_14 : vector<64xf32>
    %log1p3A = math.log1p %exp3A : vector<64xf32>
    %add3A = arith.addf %sub3A, %log1p3A : vector<64xf32>
    %reduce_sum3A = vector.shape_cast %add3A : vector<64xf32> to vector<1x64xf32>
    %reduce_sum3A_15 = arith.constant dense<0.000000e+00> : vector<1xf32>
    %reduce_sum3A_16 = vector.multi_reduction <add>, %reduce_sum3A, %reduce_sum3A_15 [1] : vector<1x64xf32> to vector<1xf32>
    %reduce_sum3A_17 = vector.shape_cast %reduce_sum3A_16 : vector<1xf32> to vector<1x1xf32>
    %reduce_sum3A_18 = vector.extract %reduce_sum3A_17[0, 0] : f32 from vector<1x1xf32>
    %div3A = arith.constant 6.400000e+01 : f32
    %div3A_19 = arith.divf %reduce_sum3A_18, %div3A : f32
    %swap3A = arith.constant 0 : index
    %swap3A_20 = arith.constant 0 : index
    %swap3A_21 = memref.load %arg3[%swap3A, %swap3A_20] : memref<1x1xf32, #tpu.memory_space<smem>>
    memref.store %div3A_19, %arg3[%swap3A, %swap3A_20] : memref<1x1xf32, #tpu.memory_space<smem>>
    return
  }
}

module attributes {stable_mosaic.version = 14 : i64} {
  func.func @_tc_bag_body(%arg0: i32, %arg1: memref<4x1x1xi32, #tpu.memory_space<smem>>, %arg2: memref<4x512x512xf32, #tpu.memory_space<vmem>>, %arg3: memref<4x512x512xi32, #tpu.memory_space<vmem>>, %arg4: memref<4x1x1xf32, #tpu.memory_space<smem>>) attributes {dimension_semantics = [#tpu.dimension_semantics<arbitrary>], iteration_bounds = array<i64: 8>, scalar_prefetch = 0 : i64, scratch_operands = 0 : i64, tpu.core_type = #tpu.core_type<tc>, window_params = [{transform_indices = @transform_0, window_bounds = array<i64: 4, 1, 1>}, {transform_indices = @transform_1, window_bounds = array<i64: 4, 512, 512>}, {transform_indices = @transform_2, window_bounds = array<i64: 4, 512, 512>}, {transform_indices = @transform_3, window_bounds = array<i64: 4, 1, 1>}]} {
    %get3A = arith.constant 0 : index
    %get3A_0 = arith.constant 0 : index
    %get3A_1 = arith.constant 0 : index
    %get3A_2 = memref.load %arg1[%get3A, %get3A_0, %get3A_1] : memref<4x1x1xi32, #tpu.memory_space<smem>>
    %get3A_3 = arith.constant 0 : index
    %get3A_4 = arith.constant 0 : index
    %get3A_5 = arith.constant 0 : index
    %get3A_6 = vector.load %arg3[%get3A_3, %get3A_4, %get3A_5] : memref<4x512x512xi32, #tpu.memory_space<vmem>>, vector<1x512x512xi32>
    %get3A_7 = vector.shape_cast %get3A_6 : vector<1x512x512xi32> to vector<512x512xi32>
    %eq3A = vector.broadcast %get3A_2 : i32 to vector<512x512xi32>
    %eq3A_8 = arith.cmpi eq, %get3A_7, %eq3A : vector<512x512xi32>
    %get3A_9 = arith.constant 0 : index
    %get3A_10 = arith.constant 0 : index
    %get3A_11 = arith.constant 0 : index
    %get3A_12 = vector.load %arg2[%get3A_9, %get3A_10, %get3A_11] : memref<4x512x512xf32, #tpu.memory_space<vmem>>, vector<1x512x512xf32>
    %get3A_13 = vector.shape_cast %get3A_12 : vector<1x512x512xf32> to vector<512x512xf32>
    %jit3A = arith.constant -1.000000e+30 : f32
    %broadcast_in_dim3A = vector.broadcast %jit3A : f32 to vector<512x512xf32>
    %select_n3A = arith.select %eq3A_8, %get3A_13, %broadcast_in_dim3A : vector<512x512xi1>, vector<512x512xf32>
    %reduce_max3A = vector.shape_cast %select_n3A : vector<512x512xf32> to vector<1x512x512xf32>
    %reduce_max3A_14 = arith.constant dense<0xFF800000> : vector<1xf32>
    %reduce_max3A_15 = vector.multi_reduction <maximumf>, %reduce_max3A, %reduce_max3A_14 [1, 2] : vector<1x512x512xf32> to vector<1xf32>
    %reduce_max3A_16 = vector.shape_cast %reduce_max3A_15 : vector<1xf32> to vector<1x1x1xf32>
    %reduce_max3A_17 = vector.extract %reduce_max3A_16[0, 0, 0] : f32 from vector<1x1x1xf32>
    %swap3A = arith.constant 0 : index
    %swap3A_18 = arith.constant 0 : index
    %swap3A_19 = arith.constant 0 : index
    %swap3A_20 = memref.load %arg4[%swap3A, %swap3A_18, %swap3A_19] : memref<4x1x1xf32, #tpu.memory_space<smem>>
    memref.store %reduce_max3A_17, %arg4[%swap3A, %swap3A_18, %swap3A_19] : memref<4x1x1xf32, #tpu.memory_space<smem>>
    %get3A_21 = arith.constant 1 : index
    %get3A_22 = arith.constant 0 : index
    %get3A_23 = arith.constant 0 : index
    %get3A_24 = memref.load %arg1[%get3A_21, %get3A_22, %get3A_23] : memref<4x1x1xi32, #tpu.memory_space<smem>>
    %get3A_25 = arith.constant 1 : index
    %get3A_26 = arith.constant 0 : index
    %get3A_27 = arith.constant 0 : index
    %get3A_28 = vector.load %arg3[%get3A_25, %get3A_26, %get3A_27] : memref<4x512x512xi32, #tpu.memory_space<vmem>>, vector<1x512x512xi32>
    %get3A_29 = vector.shape_cast %get3A_28 : vector<1x512x512xi32> to vector<512x512xi32>
    %eq3A_30 = vector.broadcast %get3A_24 : i32 to vector<512x512xi32>
    %eq3A_31 = arith.cmpi eq, %get3A_29, %eq3A_30 : vector<512x512xi32>
    %get3A_32 = arith.constant 1 : index
    %get3A_33 = arith.constant 0 : index
    %get3A_34 = arith.constant 0 : index
    %get3A_35 = vector.load %arg2[%get3A_32, %get3A_33, %get3A_34] : memref<4x512x512xf32, #tpu.memory_space<vmem>>, vector<1x512x512xf32>
    %get3A_36 = vector.shape_cast %get3A_35 : vector<1x512x512xf32> to vector<512x512xf32>
    %jit3A_37 = arith.constant -1.000000e+30 : f32
    %broadcast_in_dim3A_38 = vector.broadcast %jit3A_37 : f32 to vector<512x512xf32>
    %select_n3A_39 = arith.select %eq3A_31, %get3A_36, %broadcast_in_dim3A_38 : vector<512x512xi1>, vector<512x512xf32>
    %reduce_max3A_40 = vector.shape_cast %select_n3A_39 : vector<512x512xf32> to vector<1x512x512xf32>
    %reduce_max3A_41 = arith.constant dense<0xFF800000> : vector<1xf32>
    %reduce_max3A_42 = vector.multi_reduction <maximumf>, %reduce_max3A_40, %reduce_max3A_41 [1, 2] : vector<1x512x512xf32> to vector<1xf32>
    %reduce_max3A_43 = vector.shape_cast %reduce_max3A_42 : vector<1xf32> to vector<1x1x1xf32>
    %reduce_max3A_44 = vector.extract %reduce_max3A_43[0, 0, 0] : f32 from vector<1x1x1xf32>
    %swap3A_45 = arith.constant 1 : index
    %swap3A_46 = arith.constant 0 : index
    %swap3A_47 = arith.constant 0 : index
    %swap3A_48 = memref.load %arg4[%swap3A_45, %swap3A_46, %swap3A_47] : memref<4x1x1xf32, #tpu.memory_space<smem>>
    memref.store %reduce_max3A_44, %arg4[%swap3A_45, %swap3A_46, %swap3A_47] : memref<4x1x1xf32, #tpu.memory_space<smem>>
    %get3A_49 = arith.constant 2 : index
    %get3A_50 = arith.constant 0 : index
    %get3A_51 = arith.constant 0 : index
    %get3A_52 = memref.load %arg1[%get3A_49, %get3A_50, %get3A_51] : memref<4x1x1xi32, #tpu.memory_space<smem>>
    %get3A_53 = arith.constant 2 : index
    %get3A_54 = arith.constant 0 : index
    %get3A_55 = arith.constant 0 : index
    %get3A_56 = vector.load %arg3[%get3A_53, %get3A_54, %get3A_55] : memref<4x512x512xi32, #tpu.memory_space<vmem>>, vector<1x512x512xi32>
    %get3A_57 = vector.shape_cast %get3A_56 : vector<1x512x512xi32> to vector<512x512xi32>
    %eq3A_58 = vector.broadcast %get3A_52 : i32 to vector<512x512xi32>
    %eq3A_59 = arith.cmpi eq, %get3A_57, %eq3A_58 : vector<512x512xi32>
    %get3A_60 = arith.constant 2 : index
    %get3A_61 = arith.constant 0 : index
    %get3A_62 = arith.constant 0 : index
    %get3A_63 = vector.load %arg2[%get3A_60, %get3A_61, %get3A_62] : memref<4x512x512xf32, #tpu.memory_space<vmem>>, vector<1x512x512xf32>
    %get3A_64 = vector.shape_cast %get3A_63 : vector<1x512x512xf32> to vector<512x512xf32>
    %jit3A_65 = arith.constant -1.000000e+30 : f32
    %broadcast_in_dim3A_66 = vector.broadcast %jit3A_65 : f32 to vector<512x512xf32>
    %select_n3A_67 = arith.select %eq3A_59, %get3A_64, %broadcast_in_dim3A_66 : vector<512x512xi1>, vector<512x512xf32>
    %reduce_max3A_68 = vector.shape_cast %select_n3A_67 : vector<512x512xf32> to vector<1x512x512xf32>
    %reduce_max3A_69 = arith.constant dense<0xFF800000> : vector<1xf32>
    %reduce_max3A_70 = vector.multi_reduction <maximumf>, %reduce_max3A_68, %reduce_max3A_69 [1, 2] : vector<1x512x512xf32> to vector<1xf32>
    %reduce_max3A_71 = vector.shape_cast %reduce_max3A_70 : vector<1xf32> to vector<1x1x1xf32>
    %reduce_max3A_72 = vector.extract %reduce_max3A_71[0, 0, 0] : f32 from vector<1x1x1xf32>
    %swap3A_73 = arith.constant 2 : index
    %swap3A_74 = arith.constant 0 : index
    %swap3A_75 = arith.constant 0 : index
    %swap3A_76 = memref.load %arg4[%swap3A_73, %swap3A_74, %swap3A_75] : memref<4x1x1xf32, #tpu.memory_space<smem>>
    memref.store %reduce_max3A_72, %arg4[%swap3A_73, %swap3A_74, %swap3A_75] : memref<4x1x1xf32, #tpu.memory_space<smem>>
    %get3A_77 = arith.constant 3 : index
    %get3A_78 = arith.constant 0 : index
    %get3A_79 = arith.constant 0 : index
    %get3A_80 = memref.load %arg1[%get3A_77, %get3A_78, %get3A_79] : memref<4x1x1xi32, #tpu.memory_space<smem>>
    %get3A_81 = arith.constant 3 : index
    %get3A_82 = arith.constant 0 : index
    %get3A_83 = arith.constant 0 : index
    %get3A_84 = vector.load %arg3[%get3A_81, %get3A_82, %get3A_83] : memref<4x512x512xi32, #tpu.memory_space<vmem>>, vector<1x512x512xi32>
    %get3A_85 = vector.shape_cast %get3A_84 : vector<1x512x512xi32> to vector<512x512xi32>
    %eq3A_86 = vector.broadcast %get3A_80 : i32 to vector<512x512xi32>
    %eq3A_87 = arith.cmpi eq, %get3A_85, %eq3A_86 : vector<512x512xi32>
    %get3A_88 = arith.constant 3 : index
    %get3A_89 = arith.constant 0 : index
    %get3A_90 = arith.constant 0 : index
    %get3A_91 = vector.load %arg2[%get3A_88, %get3A_89, %get3A_90] : memref<4x512x512xf32, #tpu.memory_space<vmem>>, vector<1x512x512xf32>
    %get3A_92 = vector.shape_cast %get3A_91 : vector<1x512x512xf32> to vector<512x512xf32>
    %jit3A_93 = arith.constant -1.000000e+30 : f32
    %broadcast_in_dim3A_94 = vector.broadcast %jit3A_93 : f32 to vector<512x512xf32>
    %select_n3A_95 = arith.select %eq3A_87, %get3A_92, %broadcast_in_dim3A_94 : vector<512x512xi1>, vector<512x512xf32>
    %reduce_max3A_96 = vector.shape_cast %select_n3A_95 : vector<512x512xf32> to vector<1x512x512xf32>
    %reduce_max3A_97 = arith.constant dense<0xFF800000> : vector<1xf32>
    %reduce_max3A_98 = vector.multi_reduction <maximumf>, %reduce_max3A_96, %reduce_max3A_97 [1, 2] : vector<1x512x512xf32> to vector<1xf32>
    %reduce_max3A_99 = vector.shape_cast %reduce_max3A_98 : vector<1xf32> to vector<1x1x1xf32>
    %reduce_max3A_100 = vector.extract %reduce_max3A_99[0, 0, 0] : f32 from vector<1x1x1xf32>
    %swap3A_101 = arith.constant 3 : index
    %swap3A_102 = arith.constant 0 : index
    %swap3A_103 = arith.constant 0 : index
    %swap3A_104 = memref.load %arg4[%swap3A_101, %swap3A_102, %swap3A_103] : memref<4x1x1xf32, #tpu.memory_space<smem>>
    memref.store %reduce_max3A_100, %arg4[%swap3A_101, %swap3A_102, %swap3A_103] : memref<4x1x1xf32, #tpu.memory_space<smem>>
    return
  }
  func.func @transform_0(%arg0: i32) -> (i32, i32, i32) {
    %c0_i32 = arith.constant 0 : i32
    %c0_i32_0 = arith.constant 0 : i32
    %c0_i32_1 = arith.constant 0 : i32
    return %arg0, %c0_i32, %c0_i32_0 : i32, i32, i32
  }
  func.func @transform_1(%arg0: i32) -> (i32, i32, i32) {
    %c0_i32 = arith.constant 0 : i32
    %c0_i32_0 = arith.constant 0 : i32
    %c0_i32_1 = arith.constant 0 : i32
    return %arg0, %c0_i32, %c0_i32_0 : i32, i32, i32
  }
  func.func @transform_2(%arg0: i32) -> (i32, i32, i32) {
    %c0_i32 = arith.constant 0 : i32
    %c0_i32_0 = arith.constant 0 : i32
    %c0_i32_1 = arith.constant 0 : i32
    return %arg0, %c0_i32, %c0_i32_0 : i32, i32, i32
  }
  func.func @transform_3(%arg0: i32) -> (i32, i32, i32) {
    %c0_i32 = arith.constant 0 : i32
    %c0_i32_0 = arith.constant 0 : i32
    %c0_i32_1 = arith.constant 0 : i32
    return %arg0, %c0_i32, %c0_i32_0 : i32, i32, i32
  }
}

</mosaic_0001>

<sc_bundles>
// kernel: kernel.5.cloned.1.call-start
scs
__scs_entry_jumppad:
0x0: {  	(pc) =	sbr.rel $0x88, $3  }
0x1: {  	(tag) =	ssettag $0x0;
	lr =	simm.s32 $0x1  }
0x2: {  	[smem:$0x3F9D] =	sst lr;
	_ =	strace $0xD0000000  }
0x3: {  	_ = 	snop  }
0x4: {  	_ = 	snop  }
0x5: {  	_ = 	snop  }
0x6: {  	_ = 	snop  }
0x7: {  	_ = 	snop  }
__scs_overlays_trampoline_lowered:
0x8: {  	[smem:$0x3FAC] =	sst s0  }
0x9: {  	[smem:$0x3FAD] =	sst s1  }
0xa: {  	[smem:$0x3FAE] =	sst s2  }
0xb: {  	[smem:$0x3FAF] =	sst s3  }
0xc: {  	[smem:$0x3FB0] =	sst s4  }
0xd: {  	[smem:$0x3FB1] =	sst s5  }
0xe: {  	[smem:$0x3FB2] =	sst s6  }
0xf: {  	[smem:$0x3FB3] =	sst s7  }
0x10: {  	[smem:$0x3FB4] =	sst s8  }
0x11: {  	[smem:$0x3FB5] =	sst s9;
	s0 =	simm.s32 @!p0 $0x0  }
0x12: {  	s1 =	sld [smem:$0x3F9B];
	s0 =	simm.s32 @p0 $0x1  }
0x13: {  	[smem:$0x3FB6] =	sst s0;
	s0 =	simm.s32 @!p1 $0x0  }
0x14: {  	s2 =	sld [smem:$0x3F9A];
	s0 =	simm.s32 @p1 $0x1  }
0x15: {  	[smem:$0x3FB7] =	sst s0;
	s0 =	simm.s32 @!p2 $0x0  }
0x16: {  	s3 =	sld [smem:$0x3FDB];
	s0 =	simm.s32 @p2 $0x1  }
0x17: {  	s4 =	simm.s32 $0x1BF5;
	[smem:$0x3FB9] =	sst s0  }
0x18: {  	s0 =	sld [smem:$0x3F9C];
	_ =	swait.ge [sflag:s4], $0x0  }
0x19: {  	s7 =	sld [smem:$0x3F9D]  }
0x1a: {  	s8 =	sadd.s32 $0xFFFFE003, lr  }
0x1b: {  	s9 =	sadd.s32 $0xFFFFFEF7, lr;
	s5 =	simm.s32 $0xFFFFFFFF;
	p2 =	slt.u32 s8, $0xFFFFF086  }
0x1c: {  	p1 =	slt.u32 s9, $0xF7A;
	s5 =	simm.s32 @!p2 $0x0  }
0x1d: {  	s5 =	simm.s32 @p1 $0x1;
	p0 =	seq.s32 s7, s2  }
0x1e: {  	s7 =	smul.u32 @!p0 $0xF7A, s2;
	p2 =	seq.s32 @!p0 s5, $0x0  }
0x1f: {  	s9 =	smul.u32 $0xF7A, s1;
	s8 =	simm.s32 @!p0 $0x1BF5;
	p2 =	por !p2, p0  }
0x20: {  	[sflag:s8] =	ssyncset.s32 @!p0 $0xFFFFF086;
	s6 =	sadd.s32 @!p0 s3, s7;
	s7 =	simm.s32 @!p0 $0x108  }
0x21: {  	s3 =	sadd.s32 s3, s9;
	s6 =	sadd.s32 @!p0 $0x88, s6;
	s7 =	simm.s32 @p2 $0x1082  }
0x22: {  	[simem:s7], [sflag:s8] =	dma.local @!p0 [hbm:s6], $0xF7A  }
0x23: {  	s9 =	sor.u32 $0xD0000000, s2;
	s6 =	simm.s32 $0x108;
	_ =	swait.ge @!p0 [sflag:s8], $0x0  }
0x24: {  	s3 =	sadd.s32 $0x88, s3;
	s6 =	simm.s32 @!p1 $0x1082;
	[sflag:s4] =	ssyncset.s32 $0xFFFFF086  }
0x25: {  	[simem:s6], [sflag:s4] =	dma.local [hbm:s3], $0xF7A  }
0x26: {  	[smem:$0x3F9D] =	sst s1;
	(tag) =	ssettag s2;
	_ =	strace s9  }
0x27: {  	s1 =	sld [smem:$0x3FAD]  }
0x28: {  	s2 =	sld [smem:$0x3FAE]  }
0x29: {  	s4 =	sld [smem:$0x3FB0]  }
0x2a: {  	p0 =	seq.s32 s5, $0x0;
	s5 =	sld [smem:$0x3FB1]  }
0x2b: {  	s6 =	sld [smem:$0x3FB2]  }
0x2c: {  	s7 =	sld [smem:$0x3FB3]  }
0x2d: {  	s3 =	simm.s32 $0x108;
	s8 =	sld [smem:$0x3FB4]  }
0x2e: {  	s3 =	simm.s32 @!p0 $0x1082;
	s9 =	sld [smem:$0x3FB5]  }
0x2f: {  	lr =	sadd.s32 s0, s3;
	s0 =	sld [smem:$0x3FAC]  }
0x30: {  	s3 =	sld [smem:$0x3FAF]  }
0x31: {  	[smem:$0x3FB8] =	sst s10  }
0x32: {  	s10 =	sld [smem:$0x3FB6];
	_ =	sdelay $0x3  }
0x33: {  	p0 =	seq.s32 s10, $0x1;
	s10 =	sld [smem:$0x3FB8];
	_ =	sdelay $0x3  }
0x34: {  	[smem:$0x3FB8] =	sst s10  }
0x35: {  	s10 =	sld [smem:$0x3FB7];
	_ =	sdelay $0x3  }
0x36: {  	p1 =	seq.s32 s10, $0x1;
	s10 =	sld [smem:$0x3FB8];
	_ =	sdelay $0x3  }
0x37: {  	[smem:$0x3FB8] =	sst s10  }
0x38: {  	s10 =	sld [smem:$0x3FB9]  }
0x39: {  	_ = 	snop;
	(pc) =	sbr.ind lr, $3  }
0x3a: {  	_ = 	snop  }
0x3b: {  	_ = 	snop  }
0x3c: {  	p2 =	seq.s32 s10, $0x1;
	s10 =	sld [smem:$0x3FB8]  }
0x3d: {  	_ =	shalt  }
0x3e: {  	_ =	shalt  }
0x3f: {  	_ =	shalt  }
0x40: {  	_ =	shalt  }
0x41: {  	_ =	shalt  }
0x42: {  	_ =	shalt  }
0x43: {  	_ =	shalt  }
0x44: {  	_ =	shalt  }
0x45: {  	_ =	shalt  }
0x46: {  	_ =	shalt  }
0x47: {  	_ =	shalt  }
0x48: {  	_ =	shalt  }
0x49: {  	_ =	shalt  }
0x4a: {  	_ =	shalt  }
0x4b: {  	_ =	shalt  }
0x4c: {  	_ =	shalt  }
0x4d: {  	_ =	shalt  }
0x4e: {  	_ =	shalt  }
0x4f: {  	_ =	shalt  }
0x50: {  	_ =	shalt  }
0x51: {  	_ =	shalt  }
0x52: {  	_ =	shalt  }
0x53: {  	_ =	shalt  }
0x54: {  	_ =	shalt  }
0x55: {  	_ =	shalt  }
0x56: {  	_ =	shalt  }
0x57: {  	_ =	shalt  }
0x58: {  	_ =	shalt  }
0x59: {  	_ =	shalt  }
0x5a: {  	_ =	shalt  }
0x5b: {  	_ =	shalt  }
0x5c: {  	_ =	shalt  }
0x5d: {  	_ =	shalt  }
0x5e: {  	_ =	shalt  }
0x5f: {  	_ =	shalt  }
0x60: {  	_ =	shalt  }
0x61: {  	_ =	shalt  }
0x62: {  	_ =	shalt  }
0x63: {  	_ =	shalt  }
0x64: {  	_ =	shalt  }
0x65: {  	_ =	shalt  }
0x66: {  	_ =	shalt  }
0x67: {  	_ =	shalt  }
0x68: {  	_ =	shalt  }
0x69: {  	_ =	shalt  }
0x6a: {  	_ =	shalt  }
0x6b: {  	_ =	shalt  }
0x6c: {  	_ =	shalt  }
0x6d: {  	_ =	shalt  }
0x6e: {  	_ =	shalt  }
0x6f: {  	_ =	shalt  }
0x70: {  	_ =	shalt  }
0x71: {  	_ =	shalt  }
0x72: {  	_ =	shalt  }
0x73: {  	_ =	shalt  }
0x74: {  	_ =	shalt  }
0x75: {  	_ =	shalt  }
0x76: {  	_ =	shalt  }
0x77: {  	_ =	shalt  }
0x78: {  	_ =	shalt  }
0x79: {  	_ =	shalt  }
0x7a: {  	_ =	shalt  }
0x7b: {  	_ =	shalt  }
0x7c: {  	_ =	shalt  }
0x7d: {  	_ =	shalt  }
0x7e: {  	_ =	shalt  }
0x7f: {  	_ =	shalt  }
0x80: {  	_ =	shalt  }
0x81: {  	_ =	shalt  }
0x82: {  	_ =	shalt  }
0x83: {  	_ =	shalt  }
0x84: {  	_ =	shalt  }
0x85: {  	_ =	shalt  }
0x86: {  	_ =	shalt  }
0x87: {  	_ =	shalt  }
.Lfunc_end0:
.L_simem_size_0:
called_computation_lowered:
.L_overlay_start_0:
0x88: {  	s2 =	sld [smem:$0x3FD9]  }
0x89: {  	s3 =	sld [smem:$0x3FFE];
	_ =	sdelay $0x1  }
0x8a: {  	s1 =	srdreg.scid  }
0x8b: {  	s0 =	sand.u32 $0x1, s1  }
0x8c: {  	s17 =	sshll.u32 s0, $0xA;
	s2 =	sadd.s32 s3, s2  }
0x8d: {  	s2 =	sadd.s32 s2, s17  }
0x8e: {  	[smem:$0x3FC4] =	sst s2  }
0x8f: {  	_ = 	snop  }
0x90: {  	s2 =	sld [smem:$0x3FC9]  }
0x91: {  	s18 =	sld [smem:$0x3FC8];
	(tm) =	ssettm $0x1  }
0x92: {  	s4 =	sld [smem:$0x3FFB];
	_ =	sdelay $0x3  }
0x93: {  	_ =	strace s4  }
0x94: {  	s4 =	sld [smem:$0x3FFC];
	_ =	sdelay $0x3  }
0x95: {  	_ =	strace s4  }
0x96: {  	s4 =	sld [smem:$0x3FFD];
	_ =	sdelay $0x3  }
0x97: {  	_ =	strace s4  }
0x98: {  	_ =	strace $0x8FFFFFFF  }
0x99: {  	s19 =	sld [smem:$0x3FDB];
	_ =	sdelay $0x1  }
0x9a: {  	s5 =	simm.s32 $_scs_section_size  }
0x9b: {  	s6 =	simm.s32 $_size__tile_overlayer_lowered;
	s7 =	simm.s32 $_tile_overlayer_lowered  }
0x9c: {  	s22 =	simm.s32 $0x1BFF;
	s21 =	sshll.u32 s7, $0x1;
	s4 =	sadd.s32 s5, s19  }
0x9d: {  	s8 =	simm.s32 $0x0;
	s20 =	sshll.u32 s6, $0x1;
	s6 =	sadd.s32 s21, s4  }
0x9e: {  	[timem:s8], [sflag:s22] =	dma.local [hbm:s6], s20  }
0x9f: {  	_ =	swait.ge [sflag:s22], s20  }
0xa0: {  	s5 =	ssub.s32 $0x0, s20;
	[sflag:s22] =	ssyncset.done $0x0  }
0xa1: {  	[sflag:s22] =	ssyncadd.s32 s5;
	_ =	sdelay $0x1  }
0xa2: {  	s23 =	simm.s32 $0x1B8B  }
0xa3: {  	_ =	swait.ge [sflag:s23], $0x1  }
0xa4: {  	[sflag:s23] =	ssyncset.done $0x0  }
0xa5: {  	s25 =	simm.s32 $0x1B8E;
	s24 =	sld [smem:$0x3FFE];
	[sflag:s23] =	ssyncadd.s32 $0xFFFFFFFF  }
0xa6: {  	s26 =	simm.s32 $execute0_lowered;
	[smem:$0x3FD2] =	sst s25  }
0xa7: {  	s6 =	sshll.u32 s26, $0x1;
	_ =	strace $0x80000046;
	[dreg:$0x1] =	wrdreg $0xFFFFFFFF  }
0xa8: {  	s28 =	simm.s32 $_size_execute0_lowered;
	s4 =	sadd.s32 s4, s6;
	[dreg:$0x0] =	wrdreg $0x0  }
0xa9: {  	s6 =	sshll.u32 s28, $0x1;
	[dreg:$0x2] =	wrdreg s4  }
0xaa: {  	[dreg:$0x3] =	wrdreg s6  }
0xab: {  	[dreg:$0x4] =	wrdreg $0xC0  }
0xac: {  	_ =	task [dreg:s8], $0x5FFFF  }
0xad: {  	[dreg:$0x1] =	wrdreg $0xFFFFFFFF  }
0xae: {  	[dreg:$0x0] =	wrdreg $0x60  }
0xaf: {  	[dreg:$0x2] =	wrdreg s2  }
0xb0: {  	[dreg:$0x3] =	wrdreg s18  }
0xb1: {  	[dreg:$0x4] =	wrdreg s24  }
0xb2: {  	[dreg:$0x5] =	wrdreg $0x9  }
0xb3: {  	_ =	task.clear_ibuf [dreg:s8], $0x6FFFF;
	_ =	strace $0x90000046  }
0xb4: {  	s29 =	simm.s32 $0x9;
	_ =	strace $0x80000048  }
0xb5: {  	_ =	swait.ge [sflag:s29], $0x1  }
0xb6: {  	[sflag:s29] =	ssyncadd.s32 $0xFFFFFFFF  }
0xb7: {  	_ =	strace $0x90000048  }
0xb8: {  	_ =	sfence  }
0xb9: {  	s30 =	sld [smem:$0x0];
	_ =	sdelay $0x2  }
0xba: {  	s31 =	sshll.u32 s1, $0xD;
	s1 =	sshrl.u32 s1, $0x2  }
0xbb: {  	s3 =	sand.u32 $0x4000, s31;
	s1 =	sadd.s32 s1, s30  }
0xbc: {  	s0 =	sor.u32 s3, s0;
	s1 =	sshll.u32 s1, $0x11  }
0xbd: {  	s0 =	sor.u32 s1, s0  }
0xbe: {  	s0 =	sadd.s32 $0x8F2B, s0  }
0xbf: {  	[sflag:s0] =	ssyncadd.remote.s32 $0x1  }
0xc0: {  	_ =	sfence.sel $0xFFFF  }
0xc1: {  	[dreg:$0x0] =	wrdreg $0xFFFFFFFF;
	(pc) =	sbr.abs _section_cstart, $3  }
0xc2: {  	[dreg:$0x1] =	wrdreg $0xFFFFFFFF  }
0xc3: {  	_ =	task.clear_ibuf [dreg:s8], $0x2FFFF;
	_ =	strace $0x9FFFFFFF  }
0xc4: {  	(tm) =	ssettm $0x7FFFFFFF  }
0xc5: {  	_ =	shalt  }
tec
execute0_lowered:
.L_overlay_start_1:
0x0: {  	(tag) =	ssettag $0x1  }
0x1: {  	s1 =	rddreg [dreg:$0x0];
	s2 =	srdreg.scid  }
0x2: {  	s0 =	stileid.u32;
	s3 =	rddreg [dreg:$0x1]  }
0x3: {  	s6 =	rddreg [dreg:$0x2];
	s4 =	simm.s32 $0x0;
	s14 =	simm.s32 $0x10000  }
0x4: {  	s15 =	simm.s32 $0x5;
	s16 =	simm.s32 $0x8000;
	s17 =	simm.s32 $0x4000  }
0x5: {  	s18 =	simm.s32 $0xC000;
	s19 =	simm.s32 $0x1;
	s20 =	simm.s32 $0x3  }
0x6: {  	s21 =	simm.s32 $0x2;
	s22 =	simm.s32 $0x4;
	s23 =	simm.s32 $0x10080  }
0x7: {  	s5 =	sand.u32 $0x1, s2;
	s28 =	sshll.u32 s0, $0x1;
	[smem:$0x7FF] =	sst s4  }
0x8: {  	s24 =	simm.s32 $0x0;
	s7 =	sor.u32 s5, s28;
	_ =	strace $0x80000047  }
0x9: {  	s5 =	ssub.s32 $0x2, s5;
	s8 =	sor.u32 $0x20, s7;
	s7 =	sshll.u32 s7, $0x4  }
0xa: {  	s29 =	sshrl.u32 s5, $0x1;
	s9 =	sshll.u32 s8, $0x4;
	s10 =	sand.u32 $0x70, s7  }
0xb: {  	s12 =	sadd.s32 s7, s6;
	s13 =	ssub.s32 s5, s29;
	s30 =	sshll.u32 s8, $0xF  }
.Ltmp0:
0xc: {  	s11 =	sshll.u32 s8, $0x12;
	s9 =	sand.u32 $0x380, s9;
	(pc) =	sbr.rel .LBB2_1-.Ltmp0, $4  }
0xd: {  	s31 =	sor.u32 $0x800, s30;
	s7 =	sadd.s32 s3, s30;
	s12 =	sadd.s32 $0xE00, s12  }
0xe: {  	s13 =	smax.u32 s13, $0x1;
	s9 =	sor.u32 s10, s9;
	s8 =	sadd.s32 s1, s31  }
0xf: {  	s10 =	sor.u32 $0x8000, s11;
	s11 =	sor.u32 $0xC000, s11;
	s9 =	sadd.s32 s9, s6  }
0x10: {  	s6 =	sadd.s32 s1, s30;
	s5 =	sadd.s32 $0xA00, s9;
	s9 =	sadd.s32 s3, s31  }
.LBB2_8:
0x11: {  	s24 =	sadd.s32 $0x1, s24  }
0x12: {  	p0 =	sne.s32 s24, s13  }
.Ltmp1:
0x13: {  	[tilespmem:$0x10080] =	vst v2;
	(pc) =	sbr.rel @!p0 .LBB2_9-.Ltmp1, $4  }
0x14: {  	[hbm4b:s12+s4] =	stream.linear.scatter [tilespmem:s23], [sflag:$0x5], $0x80, $0x38;
	[tilespmem:$0x10100] =	vst v63  }
0x15: {  	_ =	swait.ge [sflag:s15], $0x80  }
0x16: {  	[sflag:s15] =	ssyncset.done $0x0  }
0x17: {  	[sflag:s15] =	ssyncadd.s32 $0xFFFFFF80  }
.LBB2_1:
0x18: {  	[tilespmem:s14], [sflag:$0x5] =	stream.linear.gather [hbm4b:s5+s4], $0x80, $0x38;
	[tilespmem:$0x10100] =	vst v63  }
0x19: {  	_ =	swait.ge [sflag:s15], $0x80  }
0x1a: {  	[sflag:s15] =	ssyncset.done $0x0  }
0x1b: {  	[sflag:s15] =	ssyncadd.s32 $0xFFFFFF80  }
0x1c: {  	v0 =	vld [tilespmem:$0x10000];
	[tilespmem:s4], [sflag:$0x1] =	stream.linear.gather [hbm4b:s6+s4], $0x4000, $0x38  }
0x1d: {  	_ = 	snop  }
0x1e: {  	[tilespmem:s16], [sflag:$0x3] =	stream.linear.gather [hbm4b:s7+s4], $0x4000, $0x38;
	[tilespmem:$0x10100] =	vst v63  }
0x1f: {  	_ = 	snop  }
0x20: {  	[tilespmem:s17], [sflag:$0x2] =	stream.linear.gather [hbm4b:s8+s4], $0x4000, $0x38;
	[tilespmem:$0x10100] =	vst v63  }
0x21: {  	s25 =	simm.s32 $0x0  }
0x22: {  	v2 =	vimm.f32 $-1.000000020e+30;
	[tilespmem:s18], [sflag:$0x4] =	stream.linear.gather [hbm4b:s9+s4], $0x4000, $0x38;
	[tilespmem:$0x10100] =	vst v63  }
.LBB2_2:
0x23: {  	_ =	swait.ge [sflag:s19], $0x4000  }
0x24: {  	s26 =	simm.s32 $0x0;
	[sflag:s19] =	ssyncset.done $0x0  }
0x25: {  	s28 =	simm.s32 $0x0;
	s30 =	simm.s32 $0x0;
	[sflag:s19] =	ssyncadd.s32 $0xFFFFC000  }
0x26: {  	s29 =	sand.u32 $0x800, s26;
	s28 =	sand.u32 $0x3000, s28;
	_ =	swait.ge [sflag:s20], $0x4000  }
0x27: {  	s28 =	sor.u32 s29, s28;
	s29 =	sand.u32 $0x380, s30;
	[sflag:s20] =	ssyncset.done $0x0  }
0x28: {  	s28 =	sor.u32 s29, s28;
	[sflag:s20] =	ssyncadd.s32 $0xFFFFC000  }
0x29: {  	v1 =	vld [tilespmem:s28+$0x460]  }
0x2a: {  	v5 =	vld [tilespmem:s28+$0x450]  }
0x2b: {  	v3 =	vld [tilespmem:s28+$0x440]  }
0x2c: {  	v7 =	vld [tilespmem:s28+$0x430]  }
0x2d: {  	v9 =	vld [tilespmem:s28+$0x420]  }
0x2e: {  	v10 =	vld [tilespmem:s28+$0x410]  }
0x2f: {  	v8 =	vld [tilespmem:s28+$0x400]  }
0x30: {  	v4 =	vld [tilespmem:s28+$0x70]  }
0x31: {  	v6 =	vld [tilespmem:s28+$0x60]  }
0x32: {  	v11 =	vld [tilespmem:s28+$0x50]  }
0x33: {  	v12 =	vld [tilespmem:s28+$0x40]  }
0x34: {  	s29 =	simm.s32 $0x1;
	v13 =	vld [tilespmem:s28+$0x30]  }
.LBB2_3:
0x35: {  	p0 =	sne.s32 s29, $0x3F;
	v14 =	vld [tilespmem:s28+$0x20]  }
0x36: {  	v15 =	vld [tilespmem:s28+$0x10]  }
0x37: {  	v16 =	vld [tilespmem:s28+$0x0]  }
0x38: {  	v17 =	vld [tilespmem:s28+$0x8000]  }
0x39: {  	v18 =	vld [tilespmem:s28+$0x8010]  }
0x3a: {  	v19 =	vld [tilespmem:s28+$0x8020]  }
0x3b: {  	v20 =	vld [tilespmem:s28+$0x8030]  }
0x3c: {  	v21 =	vld [tilespmem:s28+$0x8040]  }
0x3d: {  	vm0 =	veq.s32 v17, v0;
	v17 =	vld [tilespmem:s28+$0x8050]  }
0x3e: {  	v16 =	vnsel vm0, $0xF149F2CA, v16;
	vm0 =	veq.s32 v18, v0;
	v18 =	vld [tilespmem:s28+$0x8060]  }
0x3f: {  	v2 =	vmax.f32 v2, v16;
	v15 =	vnsel vm0, $0xF149F2CA, v15;
	vm0 =	veq.s32 v19, v0;
	v16 =	vld [tilespmem:s28+$0x8070]  }
0x40: {  	v2 =	vmax.f32 v2, v15;
	v14 =	vnsel vm0, $0xF149F2CA, v14;
	vm0 =	veq.s32 v20, v0;
	v15 =	vld [tilespmem:s28+$0x8400]  }
0x41: {  	v2 =	vmax.f32 v2, v14;
	v13 =	vnsel vm0, $0xF149F2CA, v13;
	vm0 =	veq.s32 v21, v0;
	v14 =	vld [tilespmem:s28+$0x8410]  }
0x42: {  	v2 =	vmax.f32 v2, v13;
	v12 =	vnsel vm0, $0xF149F2CA, v12;
	vm0 =	veq.s32 v17, v0;
	v13 =	vld [tilespmem:s28+$0x8420]  }
0x43: {  	v2 =	vmax.f32 v2, v12;
	v11 =	vnsel vm0, $0xF149F2CA, v11;
	vm0 =	veq.s32 v18, v0;
	v12 =	vld [tilespmem:s28+$0x8430]  }
0x44: {  	v2 =	vmax.f32 v2, v11;
	v6 =	vnsel vm0, $0xF149F2CA, v6;
	vm0 =	veq.s32 v16, v0;
	v11 =	vld [tilespmem:s28+$0x8440]  }
0x45: {  	s30 =	sshll.u32 s29, $0x8;
	s26 =	sadd.s32 $0x800, s26;
	v2 =	vmax.f32 v2, v6;
	v4 =	vnsel vm0, $0xF149F2CA, v4;
	vm0 =	veq.s32 v15, v0;
	v6 =	vld [tilespmem:s28+$0x8450]  }
0x46: {  	s2 =	sshll.u32 s29, $0x6;
	s31 =	sand.u32 $0x800, s26;
	s30 =	sand.u32 $0x3000, s30;
	v2 =	vmax.f32 v2, v4;
	v4 =	vnsel vm0, $0xF149F2CA, v8;
	vm0 =	veq.s32 v14, v0;
	v8 =	vld [tilespmem:s28+$0x8460]  }
0x47: {  	s2 =	sand.u32 $0x380, s2;
	s30 =	sor.u32 s31, s30;
	v2 =	vmax.f32 v2, v4;
	v4 =	vnsel vm0, $0xF149F2CA, v10;
	vm0 =	veq.s32 v13, v0;
	v10 =	vld [tilespmem:s28+$0x8470]  }
0x48: {  	v2 =	vmax.f32 v2, v4;
	v4 =	vnsel vm0, $0xF149F2CA, v9;
	vm0 =	veq.s32 v12, v0;
	v12 =	vld [tilespmem:s28+$0x470];
	s28 =	sor.u32 s2, s30  }
0x49: {  	v13 =	vld [tilespmem:s28+$0x460];
	v2 =	vmax.f32 v2, v4;
	v4 =	vnsel vm0, $0xF149F2CA, v7;
	vm0 =	veq.s32 v11, v0  }
0x4a: {  	v11 =	vld [tilespmem:s28+$0x450];
	v2 =	vmax.f32 v2, v4;
	v4 =	vnsel vm0, $0xF149F2CA, v3;
	vm0 =	veq.s32 v6, v0  }
0x4b: {  	v3 =	vld [tilespmem:s28+$0x440];
	v2 =	vmax.f32 v2, v4;
	v4 =	vnsel vm0, $0xF149F2CA, v5;
	vm0 =	veq.s32 v8, v0  }
0x4c: {  	v7 =	vld [tilespmem:s28+$0x430];
	v2 =	vmax.f32 v2, v4;
	v5 =	vnsel vm0, $0xF149F2CA, v1;
	vm0 =	veq.s32 v10, v0  }
0x4d: {  	v9 =	vld [tilespmem:s28+$0x420];
	v4 =	vmax.f32 v2, v5;
	v2 =	vnsel vm0, $0xF149F2CA, v12  }
0x4e: {  	v10 =	vld [tilespmem:s28+$0x410];
	v2 =	vmax.f32 v4, v2;
	v1 =	vmov v13  }
0x4f: {  	v8 =	vld [tilespmem:s28+$0x400];
	v5 =	vmov v11  }
.Ltmp2:
0x50: {  	v4 =	vld [tilespmem:s28+$0x70];
	(pc) =	sbr.rel @p0 .LBB2_3-.Ltmp2, $4  }
0x51: {  	v6 =	vld [tilespmem:s28+$0x60]  }
0x52: {  	v11 =	vld [tilespmem:s28+$0x50]  }
0x53: {  	v12 =	vld [tilespmem:s28+$0x40]  }
0x54: {  	s29 =	sadd.s32 $0x1, s29;
	v13 =	vld [tilespmem:s28+$0x30]  }
0x55: {  	v14 =	vld [tilespmem:s28+$0x20]  }
0x56: {  	v15 =	vld [tilespmem:s28+$0x10]  }
0x57: {  	v16 =	vld [tilespmem:s28+$0x0]  }
0x58: {  	v17 =	vld [tilespmem:s28+$0x8000]  }
0x59: {  	v18 =	vld [tilespmem:s28+$0x8010]  }
0x5a: {  	v19 =	vld [tilespmem:s28+$0x8020]  }
0x5b: {  	v20 =	vld [tilespmem:s28+$0x8030]  }
0x5c: {  	v21 =	vld [tilespmem:s28+$0x8040]  }
0x5d: {  	v22 =	vld [tilespmem:s28+$0x8050]  }
0x5e: {  	v23 =	vld [tilespmem:s28+$0x8060]  }
0x5f: {  	v24 =	vld [tilespmem:s28+$0x8070]  }
0x60: {  	v25 =	vld [tilespmem:s28+$0x8400]  }
0x61: {  	v26 =	vld [tilespmem:s28+$0x8410]  }
0x62: {  	v27 =	vld [tilespmem:s28+$0x8420]  }
0x63: {  	v28 =	vld [tilespmem:s28+$0x8430]  }
0x64: {  	v29 =	vld [tilespmem:s28+$0x8440]  }
0x65: {  	v30 =	vld [tilespmem:s28+$0x8450];
	s26 =	sshll.u32 s25, $0xF;
	p0 =	seq.s32 s25, $0x7  }
0x66: {  	v31 =	vld [tilespmem:s28+$0x8460];
	s2 =	sadd.s32 @!p0 s26, s10  }
0x67: {  	v32 =	vld [tilespmem:s28+$0x8470];
	s2 =	sshrl.u32 @!p0 s2, $0x3  }
0x68: {  	v33 =	vld [tilespmem:s28+$0x470];
	s29 =	simm.s32 @!p0 $0x0;
	s28 =	sadd.s32 @!p0 s1, s2  }
0x69: {  	[tilespmem:s29], [sflag:$0x1] =	stream.linear.gather @!p0 [hbm4b:s28+s29], $0x4000, $0x38;
	[tilespmem:$0x10100] =	vst v63  }
0x6a: {  	s2 =	sadd.s32 @!p0 s3, s2;
	s28 =	simm.s32 @!p0 $0x8000  }
0x6b: {  	[tilespmem:s28], [sflag:$0x3] =	stream.linear.gather @!p0 [hbm4b:s2+s29], $0x4000, $0x38;
	[tilespmem:$0x10100] =	vst v63  }
0x6c: {  	vm0 =	veq.s32 v17, v0;
	_ =	swait.ge [sflag:s21], $0x4000  }
0x6d: {  	s31 =	simm.s32 $0x0;
	vm13 =	veq.s32 v18, v0;
	v16 =	vnsel vm0, $0xF149F2CA, v16;
	[sflag:s21] =	ssyncset.done $0x0  }
0x6e: {  	s30 =	simm.s32 $0x0;
	vm14 =	veq.s32 v19, v0;
	v15 =	vnsel vm13, $0xF149F2CA, v15;
	s29 =	simm.s32 $0x0;
	v2 =	vmax.f32 v2, v16;
	[sflag:s21] =	ssyncadd.s32 $0xFFFFC000  }
0x6f: {  	vm15 =	veq.s32 v20, v0;
	v14 =	vnsel vm14, $0xF149F2CA, v14;
	s2 =	sand.u32 $0x3000, s31;
	s28 =	sand.u32 $0x800, s29;
	v2 =	vmax.f32 v2, v15;
	_ =	swait.ge [sflag:s22], $0x4000  }
0x70: {  	vm4 =	veq.s32 v21, v0;
	v13 =	vnsel vm15, $0xF149F2CA, v13;
	s2 =	sor.u32 s28, s2;
	s28 =	sand.u32 $0x380, s30;
	v2 =	vmax.f32 v2, v14;
	[sflag:s22] =	ssyncset.done $0x0  }
0x71: {  	vm5 =	veq.s32 v22, v0;
	v12 =	vnsel vm4, $0xF149F2CA, v12;
	s28 =	sor.u32 s28, s2;
	v2 =	vmax.f32 v2, v13;
	[sflag:s22] =	ssyncadd.s32 $0xFFFFC000  }
0x72: {  	vm6 =	veq.s32 v23, v0;
	v11 =	vnsel vm5, $0xF149F2CA, v11;
	v12 =	vmax.f32 v2, v12;
	v2 =	vld [tilespmem:s28+$0x4460]  }
0x73: {  	vm7 =	veq.s32 v24, v0;
	v11 =	vmax.f32 v12, v11;
	v12 =	vnsel vm6, $0xF149F2CA, v6;
	v6 =	vld [tilespmem:s28+$0x4450]  }
0x74: {  	vm8 =	veq.s32 v25, v0;
	v11 =	vmax.f32 v11, v12;
	v12 =	vnsel vm7, $0xF149F2CA, v4;
	v4 =	vld [tilespmem:s28+$0x4440]  }
0x75: {  	vm9 =	veq.s32 v26, v0;
	v11 =	vmax.f32 v11, v12;
	v12 =	vnsel vm8, $0xF149F2CA, v8;
	v8 =	vld [tilespmem:s28+$0x4430]  }
0x76: {  	vm10 =	veq.s32 v27, v0;
	v11 =	vmax.f32 v11, v12;
	v12 =	vnsel vm9, $0xF149F2CA, v10;
	v10 =	vld [tilespmem:s28+$0x4420]  }
0x77: {  	vm11 =	veq.s32 v28, v0;
	v11 =	vmax.f32 v11, v12;
	v12 =	vnsel vm10, $0xF149F2CA, v9;
	v9 =	vld [tilespmem:s28+$0x4410]  }
0x78: {  	vm12 =	veq.s32 v29, v0;
	v11 =	vmax.f32 v11, v12;
	v12 =	vnsel vm11, $0xF149F2CA, v7;
	v7 =	vld [tilespmem:s28+$0x4400]  }
0x79: {  	vm13 =	veq.s32 v30, v0;
	v11 =	vmax.f32 v11, v12;
	v12 =	vnsel vm12, $0xF149F2CA, v3;
	v3 =	vld [tilespmem:s28+$0x4070]  }
0x7a: {  	vm14 =	veq.s32 v31, v0;
	v11 =	vmax.f32 v11, v12;
	v12 =	vnsel vm13, $0xF149F2CA, v5;
	v5 =	vld [tilespmem:s28+$0x4060]  }
0x7b: {  	vm15 =	veq.s32 v32, v0;
	v11 =	vmax.f32 v11, v12;
	v12 =	vnsel vm14, $0xF149F2CA, v1;
	v1 =	vld [tilespmem:s28+$0x4050]  }
0x7c: {  	v13 =	vnsel vm15, $0xF149F2CA, v33;
	v12 =	vmax.f32 v11, v12;
	v11 =	vld [tilespmem:s28+$0x4040]  }
0x7d: {  	s30 =	simm.s32 $0x1;
	v13 =	vmax.f32 v12, v13;
	v12 =	vld [tilespmem:s28+$0x4030]  }
.LBB2_5:
0x7e: {  	p1 =	sne.s32 s30, $0x3F;
	v14 =	vld [tilespmem:s28+$0x4020]  }
0x7f: {  	v15 =	vld [tilespmem:s28+$0x4010]  }
0x80: {  	v16 =	vld [tilespmem:s28+$0x4000]  }
0x81: {  	v17 =	vld [tilespmem:s28+$0xC000]  }
0x82: {  	v18 =	vld [tilespmem:s28+$0xC010]  }
0x83: {  	v19 =	vld [tilespmem:s28+$0xC020]  }
0x84: {  	v20 =	vld [tilespmem:s28+$0xC030]  }
0x85: {  	v21 =	vld [tilespmem:s28+$0xC040]  }
0x86: {  	vm0 =	veq.s32 v17, v0;
	v17 =	vld [tilespmem:s28+$0xC050]  }
0x87: {  	v16 =	vnsel vm0, $0xF149F2CA, v16;
	vm0 =	veq.s32 v18, v0;
	v18 =	vld [tilespmem:s28+$0xC060]  }
0x88: {  	v13 =	vmax.f32 v13, v16;
	v15 =	vnsel vm0, $0xF149F2CA, v15;
	vm0 =	veq.s32 v19, v0;
	v16 =	vld [tilespmem:s28+$0xC070]  }
0x89: {  	v13 =	vmax.f32 v13, v15;
	v14 =	vnsel vm0, $0xF149F2CA, v14;
	vm0 =	veq.s32 v20, v0;
	v15 =	vld [tilespmem:s28+$0xC400]  }
0x8a: {  	v13 =	vmax.f32 v13, v14;
	v12 =	vnsel vm0, $0xF149F2CA, v12;
	vm0 =	veq.s32 v21, v0;
	v14 =	vld [tilespmem:s28+$0xC410]  }
0x8b: {  	v12 =	vmax.f32 v13, v12;
	v11 =	vnsel vm0, $0xF149F2CA, v11;
	vm0 =	veq.s32 v17, v0;
	v13 =	vld [tilespmem:s28+$0xC420]  }
0x8c: {  	v11 =	vmax.f32 v12, v11;
	v1 =	vnsel vm0, $0xF149F2CA, v1;
	vm0 =	veq.s32 v18, v0;
	v12 =	vld [tilespmem:s28+$0xC430]  }
0x8d: {  	v1 =	vmax.f32 v11, v1;
	v5 =	vnsel vm0, $0xF149F2CA, v5;
	vm0 =	veq.s32 v16, v0;
	v11 =	vld [tilespmem:s28+$0xC440]  }
0x8e: {  	s2 =	sshll.u32 s30, $0x8;
	s29 =	sadd.s32 $0x800, s29;
	v1 =	vmax.f32 v1, v5;
	v3 =	vnsel vm0, $0xF149F2CA, v3;
	vm0 =	veq.s32 v15, v0;
	v5 =	vld [tilespmem:s28+$0xC450]  }
0x8f: {  	s0 =	sshll.u32 s30, $0x6;
	s31 =	sand.u32 $0x800, s29;
	s2 =	sand.u32 $0x3000, s2;
	v1 =	vmax.f32 v1, v3;
	v3 =	vnsel vm0, $0xF149F2CA, v7;
	vm0 =	veq.s32 v14, v0;
	v7 =	vld [tilespmem:s28+$0xC460]  }
0x90: {  	s0 =	sand.u32 $0x380, s0;
	s2 =	sor.u32 s31, s2;
	v1 =	vmax.f32 v1, v3;
	v3 =	vnsel vm0, $0xF149F2CA, v9;
	vm0 =	veq.s32 v13, v0;
	v9 =	vld [tilespmem:s28+$0xC470]  }
0x91: {  	v1 =	vmax.f32 v1, v3;
	v3 =	vnsel vm0, $0xF149F2CA, v10;
	vm0 =	veq.s32 v12, v0;
	v12 =	vld [tilespmem:s28+$0x4470];
	s28 =	sor.u32 s0, s2  }
0x92: {  	v14 =	vld [tilespmem:s28+$0x4460];
	v1 =	vmax.f32 v1, v3;
	v3 =	vnsel vm0, $0xF149F2CA, v8;
	vm0 =	veq.s32 v11, v0  }
0x93: {  	v11 =	vld [tilespmem:s28+$0x4450];
	v1 =	vmax.f32 v1, v3;
	v3 =	vnsel vm0, $0xF149F2CA, v4;
	vm0 =	veq.s32 v5, v0  }
0x94: {  	v4 =	vld [tilespmem:s28+$0x4440];
	v1 =	vmax.f32 v1, v3;
	v3 =	vnsel vm0, $0xF149F2CA, v6;
	vm0 =	veq.s32 v7, v0  }
0x95: {  	v8 =	vld [tilespmem:s28+$0x4430];
	v1 =	vmax.f32 v1, v3;
	v5 =	vnsel vm0, $0xF149F2CA, v2;
	vm0 =	veq.s32 v9, v0  }
0x96: {  	v10 =	vld [tilespmem:s28+$0x4420];
	v1 =	vmax.f32 v1, v5;
	v3 =	vnsel vm0, $0xF149F2CA, v12  }
0x97: {  	v9 =	vld [tilespmem:s28+$0x4410];
	v13 =	vmax.f32 v1, v3;
	v2 =	vmov v14  }
0x98: {  	v7 =	vld [tilespmem:s28+$0x4400];
	v6 =	vmov v11  }
.Ltmp3:
0x99: {  	v3 =	vld [tilespmem:s28+$0x4070];
	(pc) =	sbr.rel @p1 .LBB2_5-.Ltmp3, $4  }
0x9a: {  	v5 =	vld [tilespmem:s28+$0x4060]  }
0x9b: {  	v1 =	vld [tilespmem:s28+$0x4050]  }
0x9c: {  	v11 =	vld [tilespmem:s28+$0x4040]  }
0x9d: {  	s30 =	sadd.s32 $0x1, s30;
	v12 =	vld [tilespmem:s28+$0x4030]  }
0x9e: {  	v14 =	vld [tilespmem:s28+$0x4020]  }
0x9f: {  	v15 =	vld [tilespmem:s28+$0x4010]  }
0xa0: {  	v16 =	vld [tilespmem:s28+$0x4000]  }
0xa1: {  	v17 =	vld [tilespmem:s28+$0xC000]  }
0xa2: {  	v18 =	vld [tilespmem:s28+$0xC010]  }
0xa3: {  	v19 =	vld [tilespmem:s28+$0xC020]  }
0xa4: {  	v20 =	vld [tilespmem:s28+$0xC030]  }
0xa5: {  	v21 =	vld [tilespmem:s28+$0xC040]  }
0xa6: {  	v52 =	vld [tilespmem:s28+$0xC050];
	vm0 =	veq.s32 v17, v0  }
0xa7: {  	v53 =	vld [tilespmem:s28+$0xC060];
	vm13 =	veq.s32 v18, v0;
	v16 =	vnsel vm0, $0xF149F2CA, v16  }
0xa8: {  	v54 =	vld [tilespmem:s28+$0xC070];
	vm14 =	veq.s32 v19, v0;
	v15 =	vnsel vm13, $0xF149F2CA, v15;
	v13 =	vmax.f32 v13, v16  }
0xa9: {  	v55 =	vld [tilespmem:s28+$0xC400];
	vm15 =	veq.s32 v20, v0;
	v14 =	vnsel vm14, $0xF149F2CA, v14;
	v13 =	vmax.f32 v13, v15  }
0xaa: {  	v56 =	vld [tilespmem:s28+$0xC410];
	vm4 =	veq.s32 v21, v0;
	v12 =	vnsel vm15, $0xF149F2CA, v12;
	v13 =	vmax.f32 v13, v14  }
0xab: {  	v57 =	vld [tilespmem:s28+$0xC420];
	vm5 =	veq.s32 v52, v0;
	v11 =	vnsel vm4, $0xF149F2CA, v11;
	v12 =	vmax.f32 v13, v12  }
0xac: {  	v58 =	vld [tilespmem:s28+$0xC430];
	vm6 =	veq.s32 v53, v0;
	v1 =	vnsel vm5, $0xF149F2CA, v1;
	v11 =	vmax.f32 v12, v11  }
0xad: {  	v59 =	vld [tilespmem:s28+$0xC440];
	vm7 =	veq.s32 v54, v0;
	v5 =	vnsel vm6, $0xF149F2CA, v5;
	v1 =	vmax.f32 v11, v1  }
0xae: {  	v60 =	vld [tilespmem:s28+$0xC450];
	vm8 =	veq.s32 v55, v0;
	v3 =	vnsel vm7, $0xF149F2CA, v3;
	v1 =	vmax.f32 v1, v5  }
0xaf: {  	v61 =	vld [tilespmem:s28+$0xC460];
	vm9 =	veq.s32 v56, v0;
	v1 =	vmax.f32 v1, v3;
	v3 =	vnsel vm8, $0xF149F2CA, v7  }
0xb0: {  	v62 =	vld [tilespmem:s28+$0xC470];
	vm10 =	veq.s32 v57, v0;
	v1 =	vmax.f32 v1, v3;
	v3 =	vnsel vm9, $0xF149F2CA, v9  }
0xb1: {  	v63 =	vld [tilespmem:s28+$0x4470];
	vm11 =	veq.s32 v58, v0;
	v1 =	vmax.f32 v1, v3;
	v3 =	vnsel vm10, $0xF149F2CA, v10  }
0xb2: {  	vm12 =	veq.s32 v59, v0;
	v1 =	vmax.f32 v1, v3;
	v3 =	vnsel vm11, $0xF149F2CA, v8  }
.Ltmp4:
0xb3: {  	vm13 =	veq.s32 v60, v0;
	v1 =	vmax.f32 v1, v3;
	v3 =	vnsel vm12, $0xF149F2CA, v4;
	(pc) =	sbr.rel @p0 .LBB2_8-.Ltmp4, $4  }
0xb4: {  	vm14 =	veq.s32 v61, v0;
	v1 =	vmax.f32 v1, v3;
	v3 =	vnsel vm13, $0xF149F2CA, v6  }
0xb5: {  	vm15 =	veq.s32 v62, v0;
	v2 =	vnsel vm14, $0xF149F2CA, v2;
	v1 =	vmax.f32 v1, v3  }
0xb6: {  	v1 =	vmax.f32 v1, v2;
	v2 =	vnsel vm15, $0xF149F2CA, v63  }
0xb7: {  	v2 =	vmax.f32 v1, v2  }
0xb8: {  	s0 =	sadd.s32 s26, s11  }
.Ltmp5:
0xb9: {  	s0 =	sshrl.u32 s0, $0x3;
	(pc) =	sbr.rel .LBB2_2-.Ltmp5, $4  }
0xba: {  	s2 =	sadd.s32 s1, s0  }
0xbb: {  	[tilespmem:s17], [sflag:$0x2] =	stream.linear.gather [hbm4b:s2+s4], $0x4000, $0x38;
	[tilespmem:$0x10100] =	vst v63  }
0xbc: {  	s25 =	sadd.s32 $0x1, s25;
	s0 =	sadd.s32 s3, s0  }
0xbd: {  	[tilespmem:s18], [sflag:$0x4] =	stream.linear.gather [hbm4b:s0+s4], $0x4000, $0x38;
	[tilespmem:$0x10100] =	vst v63  }
.LBB2_9:
0xbe: {  	_ =	sfence.sel $0x180000  }
0xbf: {  	[bflag:$0x0] =	sbarrier.arrive $0xFFFF  }
0xc0: {  	_ =	strace $0x90000047  }
0xc1: {  	s0 =	stileid.u32;
	[bflag:$0x2] =	sbarrier.arrive $0xFFFF  }
0xc2: {  	p0 =	sne.s32 s0, $0x0;
	s0 =	rddreg [dreg:$0x3]  }
0xc3: {  	s0 =	sadd.s32 @!p0 $0x100000, s0  }
0xc4: {  	[sflag:s0] =	ssyncadd.tile.s32 @!p0 $0x1;
	_ =	shalt  }
.Lfunc_end2:
_tile_overlayer_lowered:
.L_overlay_start_2:
0xc5: {  	(tag) =	ssettag $0x2  }
0xc6: {  	s0 =	rddreg [dreg:$0x0];
	s2 =	stileid.u32  }
0xc7: {  	s1 =	rddreg [dreg:$0x1];
	p0 =	sne.s32 s2, $0x0  }
0xc8: {  	s3 =	rddreg [dreg:$0x2];
	[bflag:$0x3] =	sbarrier.arrive $0xFFFF;
	s2 =	simm.s32 @!p0 $0x1C05  }
0xc9: {  	[timem:s3], [sflag:s2] =	dma.local @!p0 [hbm:s0], s1  }
0xca: {  	s0 =	simm.s32 @!p0 $0x5  }
0xcb: {  	_ =	swait.ge @!p0 [sflag:s0], s1  }
0xcc: {  	s1 =	ssub.s32 @!p0 $0x0, s1;
	[sflag:s0] =	ssyncset.done @!p0 $0x0  }
0xcd: {  	[sflag:s0] =	ssyncadd.s32 @!p0 s1  }
0xce: {  	[bflag:$0x3] =	sbarrier.arrive $0xFFFF  }
0xcf: {  	_ =	shalt  }

</sc_bundles>
